<compile_context>
chip_gen: v7x
topology: tpu7x:2x2x1
jax: 0.10.2.dev20260603
libtpu: 0.0.44.dev20260713+nightly
codegen_flags: <defaults>
</compile_context>

<pallas_src>
import functools
import math

import jax
import jax.numpy as jnp
from jax import lax
from jax.experimental import pallas as pl
from jax.experimental.pallas import tpu as pltpu
from jax.experimental.pallas import tpu_sc as plsc

_S = 128.0
_M = 0.1
_COS_M = math.cos(_M)
_SSIN_M = _S * math.sin(_M)


def _rsqrt(v, newton=3):
    i = lax.bitcast_convert_type(v, jnp.int32)
    y = lax.bitcast_convert_type(jnp.int32(0x5F3759DF) - (i >> 1), jnp.float32)
    for _ in range(newton):
        y = y * (1.5 - 0.5 * v * y * y)
    return y


def _log(z):
    i = lax.bitcast_convert_type(z, jnp.int32)
    e = (i >> 23) - 127
    m = lax.bitcast_convert_type((i & 0x7FFFFF) | 0x3F800000, jnp.float32)
    big = m > 1.4142135
    m = jnp.where(big, m * 0.5, m)
    e = e + jnp.where(big, 1, 0)
    u = (m - 1.0) / (m + 1.0)
    u2 = u * u
    p = u * (2.0 + u2 * (2.0 / 3.0 + u2 * (0.4 + u2 * (2.0 / 7.0))))
    return e.astype(jnp.float32) * 0.6931471805599453 + p


def _body(x_hbm, lab_hbm, w_hbm, loss_hbm, out_hbm,
          xbuf, lbuf, wbuf, obuf, lossbuf, smembuf, sem0, sem1, sem2):
    s = lax.axis_index("s")
    lanes = lax.broadcasted_iota(jnp.int32, (16,), 0)

    i0 = s * 16

    @pl.when(s < 8)
    def _():
        pltpu.async_copy(x_hbm.at[pl.ds(i0 * 2, 32)], xbuf, sem0)
        pltpu.async_copy(lab_hbm.at[pl.ds(i0, 16)], lbuf, sem1)
        pltpu.async_copy(w_hbm, wbuf, sem2)

    @pl.when(s == 0)
    def _():
        smembuf[0] = 0

    plsc.subcore_barrier()

    @pl.when(s < 8)
    def _():
        pltpu.make_async_copy(w_hbm, wbuf, sem2).wait()

        cl = jnp.minimum(lanes, 9)
        w0 = plsc.load_gather(wbuf, [cl])
        w1 = plsc.load_gather(wbuf, [cl + 10])
        g = _S * _rsqrt(jnp.maximum(w0 * w0 + w1 * w1, 1e-24))
        ws0 = w0 * g
        ws1 = w1 * g
        w0s = []
        w1s = []
        dnums = lax.GatherDimensionNumbers(
            offset_dims=(), collapsed_slice_dims=(0,), start_index_map=(0,))
        for j in range(10):
            jf = jnp.full((16, 1), j, jnp.int32)
            w0s.append(lax.gather(ws0, jf, dnums, (1,),
                                  mode=lax.GatherScatterMode.PROMISE_IN_BOUNDS))
            w1s.append(lax.gather(ws1, jf, dnums, (1,),
                                  mode=lax.GatherScatterMode.PROMISE_IN_BOUNDS))

        pltpu.make_async_copy(x_hbm.at[pl.ds(i0 * 2, 32)], xbuf, sem0).wait()
        pltpu.make_async_copy(lab_hbm.at[pl.ds(i0, 16)], lbuf, sem1).wait()
        a0 = plsc.load_gather(xbuf, [lanes * 2])
        b0 = plsc.load_gather(xbuf, [lanes * 2 + 1])
        lab = lbuf[...]
        f = _rsqrt(jnp.maximum(a0 * a0 + b0 * b0, 1e-24))
        a = a0 * f
        b = b0 * f

        idx10 = lanes * 10
        outs = []
        mx = jnp.full((16,), -3.0e38, jnp.float32)
        sc_lab = jnp.zeros((16,), jnp.float32)
        for j in range(10):
            oj = a * w0s[j] + b * w1s[j]
            plsc.store_scatter(obuf, [idx10 + j], oj)
            outs.append(oj)
            mx = jnp.maximum(mx, oj)
            sc_lab = sc_lab + jnp.where(lab == j, oj, 0.0)

        c_lab = sc_lab * (1.0 / _S)
        sv = jnp.maximum(1.0 - c_lab * c_lab, 0.0)
        sine = sv * _rsqrt(jnp.maximum(sv, 1e-30), newton=2)
        phi_s = sc_lab * _COS_M - _SSIN_M * sine
        plsc.store_scatter(obuf, [idx10 + lab], phi_s)
        pltpu.async_copy(obuf, out_hbm.at[pl.ds(i0 * 10, 160)], sem0)
        mx = jnp.maximum(mx, phi_s)

        z = jnp.zeros((16,), jnp.float32)
        for j in range(10):
            ej = jnp.where(lab == j, phi_s, outs[j])
            z = z + jnp.exp(ej - mx)
        li = mx + _log(z) - phi_s

        part = (jnp.sum(li) * 32768.0).astype(jnp.int32)
        plsc.fetch_and_add(smembuf.at[0], part, subcore_id=0)
        pltpu.make_async_copy(obuf, out_hbm.at[pl.ds(i0 * 10, 160)], sem0).wait()

    plsc.subcore_barrier()

    @pl.when(s == 0)
    def _():
        total = smembuf[0]
        loss = total.astype(jnp.float32) * (1.0 / (32768.0 * 128.0))
        lossbuf[...] = jnp.full((16,), loss)
        pltpu.sync_copy(lossbuf.at[pl.ds(0, 8)], loss_hbm)


@functools.cache
def _make_kernel():
    return functools.partial(
        pl.kernel,
        out_type=(
            jax.ShapeDtypeStruct((8,), jnp.float32),
            jax.ShapeDtypeStruct((1280,), jnp.float32),
        ),
        mesh=plsc.VectorSubcoreMesh(
            core_axis_name="c", subcore_axis_name="s", num_cores=1, num_subcores=16
        ),
        compiler_params=pltpu.CompilerParams(needs_layout_passes=False),
        scratch_types=[
            pltpu.VMEM((32,), jnp.float32),
            pltpu.VMEM((16,), jnp.int32),
            pltpu.VMEM((20,), jnp.float32),
            pltpu.VMEM((160,), jnp.float32),
            pltpu.VMEM((16,), jnp.float32),
            pltpu.SMEM((1,), jnp.int32),
            pltpu.SemaphoreType.DMA,
            pltpu.SemaphoreType.DMA,
            pltpu.SemaphoreType.DMA,
        ],
    )(_body)


@jax.jit
def kernel(x, label, W):
    loss_vec, out_flat = _make_kernel()(x.reshape(256), label, W.reshape(20))
    return (loss_vec[0], out_flat.reshape(128, 10))

# --- scband reference (transcript-rebuilt; emitter-appended) ---
"""Pipeline reference for scband-arcface-71700184039709 (READ-ONLY COPY).

The authoritative reference and input builder live on the scoring server;
editing this copy changes nothing except your own understanding.
"""

import jax, jax.numpy as jnp
import numpy as np
import math


def setup_inputs(seed: int = 0) -> dict:
    key = jax.random.key(seed)
    k1, k2, k3 = jax.random.split(key, 3)
    x = jax.random.normal(k1, (128, 2), dtype=jnp.float32)
    label = jax.random.randint(k2, (128,), 0, 10, dtype=jnp.int32)
    # Learned parameter: nn.Parameter(torch.Tensor(2, 10)) with xavier init,
    # then renorm_(2, 1, 1e-05).mul_(100000.0) -> each column has ~unit L2 norm.
    W = jax.random.normal(k3, (2, 10), dtype=jnp.float32)
    W = W / jnp.clip(jnp.linalg.norm(W, axis=0, keepdims=True), 1e-12, None)
    return {"x": x, "label": label, "W": W}


def reference(x, label, W):
    s = 128.0
    m = 0.1
    cos_m = math.cos(m)
    sin_m = math.sin(m)
    # F.normalize(x) -> row-normalize; F.normalize(weight, dim=0) -> column-normalize
    xn = x / jnp.clip(jnp.linalg.norm(x, axis=1, keepdims=True), 1e-12, None)
    wn = W / jnp.clip(jnp.linalg.norm(W, axis=0, keepdims=True), 1e-12, None)
    cosine = xn @ wn  # [128, 10]
    sine = jnp.sqrt(jnp.clip(1.0 - cosine ** 2, 0.0, None))
    phi = cosine * cos_m - sine * sin_m
    theta = jnp.arccos(jnp.clip(cosine, -1.0, 1.0))  # computed in torch code but unused
    # for i in range(128): output[i][label[i]] = phi[i][label[i]]
    rows = jnp.arange(128)
    output = cosine.at[rows, label].set(phi[rows, label])
    output = s * output
    # F.cross_entropy(output, label)
    logz = jax.scipy.special.logsumexp(output, axis=1)
    loss = jnp.mean(logz - output[rows, label])
    return (loss, output)

if __name__ == "__main__":
    import jax
    _d = setup_inputs()
    print(jax.jit(kernel)(*tuple(_d.values())))

</pallas_src>

<mosaic_0001>
#map = affine_map<(d0, d1) -> (0)>
module attributes {stable_mosaic.version = 14 : i64} {
  func.func @_body(%arg0: i32, %arg1: i32, %arg2: memref<256xf32, #tpu.memory_space<hbm>>, %arg3: memref<128xi32, #tpu.memory_space<hbm>>, %arg4: memref<20xf32, #tpu.memory_space<hbm>>, %arg5: memref<8xf32, #tpu.memory_space<hbm>>, %arg6: memref<1280xf32, #tpu.memory_space<hbm>>, %arg7: memref<32xf32, #tpu.memory_space<vmem>>, %arg8: memref<16xi32, #tpu.memory_space<vmem>>, %arg9: memref<20xf32, #tpu.memory_space<vmem>>, %arg10: memref<160xf32, #tpu.memory_space<vmem>>, %arg11: memref<16xf32, #tpu.memory_space<vmem>>, %arg12: memref<1xi32, #tpu.memory_space<smem>>, %arg13: memref<!tpu.dma_semaphore, #tpu.memory_space<semaphore_mem>>, %arg14: memref<!tpu.dma_semaphore, #tpu.memory_space<semaphore_mem>>, %arg15: memref<!tpu.dma_semaphore, #tpu.memory_space<semaphore_mem>>) attributes {dimension_semantics = [#tpu.dimension_semantics<core_parallel>, #tpu.dimension_semantics<subcore_parallel>], iteration_bounds = array<i64: 1, 16>, scalar_prefetch = 0 : i64, scratch_operands = 9 : i64, tpu.core_type = #tpu.core_type<sc_vector_subcore>, window_params = [{transform_indices = #map}, {transform_indices = #map}, {transform_indices = #map}, {transform_indices = #map}, {transform_indices = #map}]} {
    %iota3A = tpu.iota {dimensions = array<i32: 0>} : vector<16xi32>
    %mul3A = arith.constant 16 : i32
    %mul3A_0 = arith.muli %arg1, %mul3A : i32
    %lt3A = arith.constant 8 : i32
    %lt3A_1 = arith.cmpi slt, %arg1, %lt3A : i32
    %convert_element_type3A = arith.extui %lt3A_1 : i1 to i32
    %cond3A = arith.constant 0 : i32
    %cond3A_2 = arith.cmpi ne, %convert_element_type3A, %cond3A : i32
    scf.if %cond3A_2 {
      %mul3A_18 = arith.constant 2 : i32
      %mul3A_19 = arith.muli %mul3A_0, %mul3A_18 : i32
      %dma_start3A = tpu.memref_slice %arg2[%mul3A_19] : memref<256xf32, #tpu.memory_space<hbm>> -> memref<32xf32, #tpu.memory_space<hbm>>
      %dma_start3A_20 = tpu.memref_slice %arg2[%mul3A_19] : memref<256xf32, #tpu.memory_space<hbm>> -> memref<32xf32, #tpu.memory_space<hbm>>
      tpu.enqueue_dma source(%dma_start3A_20 : memref<32xf32, #tpu.memory_space<hbm>>) target(%arg7 : memref<32xf32, #tpu.memory_space<vmem>>) target_semaphore(%arg13 : memref<!tpu.dma_semaphore, #tpu.memory_space<semaphore_mem>>)
      %dma_start3A_21 = tpu.memref_slice %arg3[%mul3A_0] : memref<128xi32, #tpu.memory_space<hbm>> -> memref<16xi32, #tpu.memory_space<hbm>>
      %dma_start3A_22 = tpu.memref_slice %arg3[%mul3A_0] : memref<128xi32, #tpu.memory_space<hbm>> -> memref<16xi32, #tpu.memory_space<hbm>>
      tpu.enqueue_dma source(%dma_start3A_22 : memref<16xi32, #tpu.memory_space<hbm>>) target(%arg8 : memref<16xi32, #tpu.memory_space<vmem>>) target_semaphore(%arg14 : memref<!tpu.dma_semaphore, #tpu.memory_space<semaphore_mem>>)
      tpu.enqueue_dma source(%arg4 : memref<20xf32, #tpu.memory_space<hbm>>) target(%arg9 : memref<20xf32, #tpu.memory_space<vmem>>) target_semaphore(%arg15 : memref<!tpu.dma_semaphore, #tpu.memory_space<semaphore_mem>>)
    } else {
    }
    %eq3A = arith.constant 0 : i32
    %eq3A_3 = arith.cmpi eq, %arg1, %eq3A : i32
    %convert_element_type3A_4 = arith.extui %eq3A_3 : i1 to i32
    %cond3A_5 = arith.constant 0 : i32
    %cond3A_6 = arith.cmpi ne, %convert_element_type3A_4, %cond3A_5 : i32
    scf.if %cond3A_6 {
      %swap3A = arith.constant 0 : i32
      %swap3A_18 = arith.constant 0 : i32
      %swap3A_19 = arith.index_cast %swap3A_18 : i32 to index
      %swap3A_20 = memref.load %arg12[%swap3A_19] : memref<1xi32, #tpu.memory_space<smem>>
      memref.store %swap3A, %arg12[%swap3A_19] : memref<1xi32, #tpu.memory_space<smem>>
    } else {
    }
    %barrier3A = arith.constant 0 : index
    tpu.barrier barrier_id(%barrier3A)
    %lt3A_7 = arith.constant 8 : i32
    %lt3A_8 = arith.cmpi slt, %arg1, %lt3A_7 : i32
    %convert_element_type3A_9 = arith.extui %lt3A_8 : i1 to i32
    %cond3A_10 = arith.constant 0 : i32
    %cond3A_11 = arith.cmpi ne, %convert_element_type3A_9, %cond3A_10 : i32
    scf.if %cond3A_11 {
      tpu.wait_dma2 semaphore(%arg15 : memref<!tpu.dma_semaphore, #tpu.memory_space<semaphore_mem>>) src(%arg4 : memref<20xf32, #tpu.memory_space<hbm>>) dst(%arg9 : memref<20xf32, #tpu.memory_space<vmem>>)
      %min3A = arith.constant 9 : i32
      %min3A_18 = vector.broadcast %min3A : i32 to vector<16xi32>
      %min3A_19 = arith.minsi %iota3A, %min3A_18 : vector<16xi32>
      %gather3A = tpu.vector_load_idx %arg9[%min3A_19] : memref<20xf32, #tpu.memory_space<vmem>>[vector<16xi32>], vector<16xf32>,
      %add3A = arith.constant 10 : i32
      %add3A_20 = vector.broadcast %add3A : i32 to vector<16xi32>
      %add3A_21 = arith.addi %min3A_19, %add3A_20 : vector<16xi32>
      %gather3A_22 = tpu.vector_load_idx %arg9[%add3A_21] : memref<20xf32, #tpu.memory_space<vmem>>[vector<16xi32>], vector<16xf32>,
      %mul3A_23 = arith.mulf %gather3A, %gather3A : vector<16xf32>
      %mul3A_24 = arith.mulf %gather3A_22, %gather3A_22 : vector<16xf32>
      %add3A_25 = arith.addf %mul3A_23, %mul3A_24 : vector<16xf32>
      %max3A = arith.constant 1.000000e-24 : f32
      %max3A_26 = vector.broadcast %max3A : f32 to vector<16xf32>
      %max3A_27 = arith.maximumf %add3A_25, %max3A_26 : vector<16xf32>
      %bitcast_convert_type3A = tpu.bitcast %max3A_27 : vector<16xf32> -> vector<16xi32>
      %shift_right_arithmetic3A = arith.constant 1 : i32
      %shift_right_arithmetic3A_28 = vector.broadcast %shift_right_arithmetic3A : i32 to vector<16xi32>
      %shift_right_arithmetic3A_29 = arith.shrsi %bitcast_convert_type3A, %shift_right_arithmetic3A_28 : vector<16xi32>
      %sub3A = arith.constant 1597463007 : i32
      %sub3A_30 = vector.broadcast %sub3A : i32 to vector<16xi32>
      %sub3A_31 = arith.subi %sub3A_30, %shift_right_arithmetic3A_29 : vector<16xi32>
      %bitcast_convert_type3A_32 = tpu.bitcast %sub3A_31 : vector<16xi32> -> vector<16xf32>
      %mul3A_33 = arith.constant 5.000000e-01 : f32
      %mul3A_34 = vector.broadcast %mul3A_33 : f32 to vector<16xf32>
      %mul3A_35 = arith.mulf %mul3A_34, %max3A_27 : vector<16xf32>
      %mul3A_36 = arith.mulf %mul3A_35, %bitcast_convert_type3A_32 : vector<16xf32>
      %mul3A_37 = arith.mulf %mul3A_36, %bitcast_convert_type3A_32 : vector<16xf32>
      %sub3A_38 = arith.constant 1.500000e+00 : f32
      %sub3A_39 = vector.broadcast %sub3A_38 : f32 to vector<16xf32>
      %sub3A_40 = arith.subf %sub3A_39, %mul3A_37 : vector<16xf32>
      %mul3A_41 = arith.mulf %bitcast_convert_type3A_32, %sub3A_40 : vector<16xf32>
      %mul3A_42 = arith.constant 5.000000e-01 : f32
      %mul3A_43 = vector.broadcast %mul3A_42 : f32 to vector<16xf32>
      %mul3A_44 = arith.mulf %mul3A_43, %max3A_27 : vector<16xf32>
      %mul3A_45 = arith.mulf %mul3A_44, %mul3A_41 : vector<16xf32>
      %mul3A_46 = arith.mulf %mul3A_45, %mul3A_41 : vector<16xf32>
      %sub3A_47 = arith.constant 1.500000e+00 : f32
      %sub3A_48 = vector.broadcast %sub3A_47 : f32 to vector<16xf32>
      %sub3A_49 = arith.subf %sub3A_48, %mul3A_46 : vector<16xf32>
      %mul3A_50 = arith.mulf %mul3A_41, %sub3A_49 : vector<16xf32>
      %mul3A_51 = arith.constant 5.000000e-01 : f32
      %mul3A_52 = vector.broadcast %mul3A_51 : f32 to vector<16xf32>
      %mul3A_53 = arith.mulf %mul3A_52, %max3A_27 : vector<16xf32>
      %mul3A_54 = arith.mulf %mul3A_53, %mul3A_50 : vector<16xf32>
      %mul3A_55 = arith.mulf %mul3A_54, %mul3A_50 : vector<16xf32>
      %sub3A_56 = arith.constant 1.500000e+00 : f32
      %sub3A_57 = vector.broadcast %sub3A_56 : f32 to vector<16xf32>
      %sub3A_58 = arith.subf %sub3A_57, %mul3A_55 : vector<16xf32>
      %mul3A_59 = arith.mulf %mul3A_50, %sub3A_58 : vector<16xf32>
      %mul3A_60 = arith.constant 1.280000e+02 : f32
      %mul3A_61 = vector.broadcast %mul3A_60 : f32 to vector<16xf32>
      %mul3A_62 = arith.mulf %mul3A_61, %mul3A_59 : vector<16xf32>
      %mul3A_63 = arith.mulf %gather3A, %mul3A_62 : vector<16xf32>
      %mul3A_64 = arith.mulf %gather3A_22, %mul3A_62 : vector<16xf32>
      %broadcast_in_dim3A = arith.constant 0 : i32
      %broadcast_in_dim3A_65 = vector.broadcast %broadcast_in_dim3A : i32 to vector<16x1xi32>
      %gather3A_66 = vector.shape_cast %broadcast_in_dim3A_65 : vector<16x1xi32> to vector<16xi32>
      %gather3A_67 = tpu.dynamic_gather %mul3A_63[%gather3A_66] in [0] : vector<16xf32>, vector<16xi32> -> vector<16xf32>
      %gather3A_68 = vector.shape_cast %broadcast_in_dim3A_65 : vector<16x1xi32> to vector<16xi32>
      %gather3A_69 = tpu.dynamic_gather %mul3A_64[%gather3A_68] in [0] : vector<16xf32>, vector<16xi32> -> vector<16xf32>
      %broadcast_in_dim3A_70 = arith.constant 1 : i32
      %broadcast_in_dim3A_71 = vector.broadcast %broadcast_in_dim3A_70 : i32 to vector<16x1xi32>
      %gather3A_72 = vector.shape_cast %broadcast_in_dim3A_71 : vector<16x1xi32> to vector<16xi32>
      %gather3A_73 = tpu.dynamic_gather %mul3A_63[%gather3A_72] in [0] : vector<16xf32>, vector<16xi32> -> vector<16xf32>
      %gather3A_74 = vector.shape_cast %broadcast_in_dim3A_71 : vector<16x1xi32> to vector<16xi32>
      %gather3A_75 = tpu.dynamic_gather %mul3A_64[%gather3A_74] in [0] : vector<16xf32>, vector<16xi32> -> vector<16xf32>
      %broadcast_in_dim3A_76 = arith.constant 2 : i32
      %broadcast_in_dim3A_77 = vector.broadcast %broadcast_in_dim3A_76 : i32 to vector<16x1xi32>
      %gather3A_78 = vector.shape_cast %broadcast_in_dim3A_77 : vector<16x1xi32> to vector<16xi32>
      %gather3A_79 = tpu.dynamic_gather %mul3A_63[%gather3A_78] in [0] : vector<16xf32>, vector<16xi32> -> vector<16xf32>
      %gather3A_80 = vector.shape_cast %broadcast_in_dim3A_77 : vector<16x1xi32> to vector<16xi32>
      %gather3A_81 = tpu.dynamic_gather %mul3A_64[%gather3A_80] in [0] : vector<16xf32>, vector<16xi32> -> vector<16xf32>
      %broadcast_in_dim3A_82 = arith.constant 3 : i32
      %broadcast_in_dim3A_83 = vector.broadcast %broadcast_in_dim3A_82 : i32 to vector<16x1xi32>
      %gather3A_84 = vector.shape_cast %broadcast_in_dim3A_83 : vector<16x1xi32> to vector<16xi32>
      %gather3A_85 = tpu.dynamic_gather %mul3A_63[%gather3A_84] in [0] : vector<16xf32>, vector<16xi32> -> vector<16xf32>
      %gather3A_86 = vector.shape_cast %broadcast_in_dim3A_83 : vector<16x1xi32> to vector<16xi32>
      %gather3A_87 = tpu.dynamic_gather %mul3A_64[%gather3A_86] in [0] : vector<16xf32>, vector<16xi32> -> vector<16xf32>
      %broadcast_in_dim3A_88 = arith.constant 4 : i32
      %broadcast_in_dim3A_89 = vector.broadcast %broadcast_in_dim3A_88 : i32 to vector<16x1xi32>
      %gather3A_90 = vector.shape_cast %broadcast_in_dim3A_89 : vector<16x1xi32> to vector<16xi32>
      %gather3A_91 = tpu.dynamic_gather %mul3A_63[%gather3A_90] in [0] : vector<16xf32>, vector<16xi32> -> vector<16xf32>
      %gather3A_92 = vector.shape_cast %broadcast_in_dim3A_89 : vector<16x1xi32> to vector<16xi32>
      %gather3A_93 = tpu.dynamic_gather %mul3A_64[%gather3A_92] in [0] : vector<16xf32>, vector<16xi32> -> vector<16xf32>
      %broadcast_in_dim3A_94 = arith.constant 5 : i32
      %broadcast_in_dim3A_95 = vector.broadcast %broadcast_in_dim3A_94 : i32 to vector<16x1xi32>
      %gather3A_96 = vector.shape_cast %broadcast_in_dim3A_95 : vector<16x1xi32> to vector<16xi32>
      %gather3A_97 = tpu.dynamic_gather %mul3A_63[%gather3A_96] in [0] : vector<16xf32>, vector<16xi32> -> vector<16xf32>
      %gather3A_98 = vector.shape_cast %broadcast_in_dim3A_95 : vector<16x1xi32> to vector<16xi32>
      %gather3A_99 = tpu.dynamic_gather %mul3A_64[%gather3A_98] in [0] : vector<16xf32>, vector<16xi32> -> vector<16xf32>
      %broadcast_in_dim3A_100 = arith.constant 6 : i32
      %broadcast_in_dim3A_101 = vector.broadcast %broadcast_in_dim3A_100 : i32 to vector<16x1xi32>
      %gather3A_102 = vector.shape_cast %broadcast_in_dim3A_101 : vector<16x1xi32> to vector<16xi32>
      %gather3A_103 = tpu.dynamic_gather %mul3A_63[%gather3A_102] in [0] : vector<16xf32>, vector<16xi32> -> vector<16xf32>
      %gather3A_104 = vector.shape_cast %broadcast_in_dim3A_101 : vector<16x1xi32> to vector<16xi32>
      %gather3A_105 = tpu.dynamic_gather %mul3A_64[%gather3A_104] in [0] : vector<16xf32>, vector<16xi32> -> vector<16xf32>
      %broadcast_in_dim3A_106 = arith.constant 7 : i32
      %broadcast_in_dim3A_107 = vector.broadcast %broadcast_in_dim3A_106 : i32 to vector<16x1xi32>
      %gather3A_108 = vector.shape_cast %broadcast_in_dim3A_107 : vector<16x1xi32> to vector<16xi32>
      %gather3A_109 = tpu.dynamic_gather %mul3A_63[%gather3A_108] in [0] : vector<16xf32>, vector<16xi32> -> vector<16xf32>
      %gather3A_110 = vector.shape_cast %broadcast_in_dim3A_107 : vector<16x1xi32> to vector<16xi32>
      %gather3A_111 = tpu.dynamic_gather %mul3A_64[%gather3A_110] in [0] : vector<16xf32>, vector<16xi32> -> vector<16xf32>
      %broadcast_in_dim3A_112 = arith.constant 8 : i32
      %broadcast_in_dim3A_113 = vector.broadcast %broadcast_in_dim3A_112 : i32 to vector<16x1xi32>
      %gather3A_114 = vector.shape_cast %broadcast_in_dim3A_113 : vector<16x1xi32> to vector<16xi32>
      %gather3A_115 = tpu.dynamic_gather %mul3A_63[%gather3A_114] in [0] : vector<16xf32>, vector<16xi32> -> vector<16xf32>
      %gather3A_116 = vector.shape_cast %broadcast_in_dim3A_113 : vector<16x1xi32> to vector<16xi32>
      %gather3A_117 = tpu.dynamic_gather %mul3A_64[%gather3A_116] in [0] : vector<16xf32>, vector<16xi32> -> vector<16xf32>
      %broadcast_in_dim3A_118 = arith.constant 9 : i32
      %broadcast_in_dim3A_119 = vector.broadcast %broadcast_in_dim3A_118 : i32 to vector<16x1xi32>
      %gather3A_120 = vector.shape_cast %broadcast_in_dim3A_119 : vector<16x1xi32> to vector<16xi32>
      %gather3A_121 = tpu.dynamic_gather %mul3A_63[%gather3A_120] in [0] : vector<16xf32>, vector<16xi32> -> vector<16xf32>
      %gather3A_122 = vector.shape_cast %broadcast_in_dim3A_119 : vector<16x1xi32> to vector<16xi32>
      %gather3A_123 = tpu.dynamic_gather %mul3A_64[%gather3A_122] in [0] : vector<16xf32>, vector<16xi32> -> vector<16xf32>
      %mul3A_124 = arith.constant 2 : i32
      %mul3A_125 = arith.muli %mul3A_0, %mul3A_124 : i32
      %dma_wait3A = tpu.memref_slice %arg2[%mul3A_125] : memref<256xf32, #tpu.memory_space<hbm>> -> memref<32xf32, #tpu.memory_space<hbm>>
      %dma_wait3A_126 = tpu.memref_slice %arg2[%mul3A_125] : memref<256xf32, #tpu.memory_space<hbm>> -> memref<32xf32, #tpu.memory_space<hbm>>
      tpu.wait_dma2 semaphore(%arg13 : memref<!tpu.dma_semaphore, #tpu.memory_space<semaphore_mem>>) src(%dma_wait3A_126 : memref<32xf32, #tpu.memory_space<hbm>>) dst(%arg7 : memref<32xf32, #tpu.memory_space<vmem>>)
      %dma_wait3A_127 = tpu.memref_slice %arg3[%mul3A_0] : memref<128xi32, #tpu.memory_space<hbm>> -> memref<16xi32, #tpu.memory_space<hbm>>
      %dma_wait3A_128 = tpu.memref_slice %arg3[%mul3A_0] : memref<128xi32, #tpu.memory_space<hbm>> -> memref<16xi32, #tpu.memory_space<hbm>>
      tpu.wait_dma2 semaphore(%arg14 : memref<!tpu.dma_semaphore, #tpu.memory_space<semaphore_mem>>) src(%dma_wait3A_128 : memref<16xi32, #tpu.memory_space<hbm>>) dst(%arg8 : memref<16xi32, #tpu.memory_space<vmem>>)
      %mul3A_129 = arith.constant 2 : i32
      %mul3A_130 = vector.broadcast %mul3A_129 : i32 to vector<16xi32>
      %mul3A_131 = arith.muli %iota3A, %mul3A_130 : vector<16xi32>
      %gather3A_132 = tpu.vector_load_idx %arg7[%mul3A_131] : memref<32xf32, #tpu.memory_space<vmem>>[vector<16xi32>], vector<16xf32>,
      %mul3A_133 = arith.constant 2 : i32
      %mul3A_134 = vector.broadcast %mul3A_133 : i32 to vector<16xi32>
      %mul3A_135 = arith.muli %iota3A, %mul3A_134 : vector<16xi32>
      %add3A_136 = arith.constant 1 : i32
      %add3A_137 = vector.broadcast %add3A_136 : i32 to vector<16xi32>
      %add3A_138 = arith.addi %mul3A_135, %add3A_137 : vector<16xi32>
      %gather3A_139 = tpu.vector_load_idx %arg7[%add3A_138] : memref<32xf32, #tpu.memory_space<vmem>>[vector<16xi32>], vector<16xf32>,
      %get3A = arith.constant 0 : index
      %get3A_140 = tpu.vector_load %arg8[%get3A] {strides = array<i32>} : memref<16xi32, #tpu.memory_space<vmem>>, vector<16xi32>,
      %mul3A_141 = arith.mulf %gather3A_132, %gather3A_132 : vector<16xf32>
      %mul3A_142 = arith.mulf %gather3A_139, %gather3A_139 : vector<16xf32>
      %add3A_143 = arith.addf %mul3A_141, %mul3A_142 : vector<16xf32>
      %max3A_144 = arith.constant 1.000000e-24 : f32
      %max3A_145 = vector.broadcast %max3A_144 : f32 to vector<16xf32>
      %max3A_146 = arith.maximumf %add3A_143, %max3A_145 : vector<16xf32>
      %bitcast_convert_type3A_147 = tpu.bitcast %max3A_146 : vector<16xf32> -> vector<16xi32>
      %shift_right_arithmetic3A_148 = arith.constant 1 : i32
      %shift_right_arithmetic3A_149 = vector.broadcast %shift_right_arithmetic3A_148 : i32 to vector<16xi32>
      %shift_right_arithmetic3A_150 = arith.shrsi %bitcast_convert_type3A_147, %shift_right_arithmetic3A_149 : vector<16xi32>
      %sub3A_151 = arith.constant 1597463007 : i32
      %sub3A_152 = vector.broadcast %sub3A_151 : i32 to vector<16xi32>
      %sub3A_153 = arith.subi %sub3A_152, %shift_right_arithmetic3A_150 : vector<16xi32>
      %bitcast_convert_type3A_154 = tpu.bitcast %sub3A_153 : vector<16xi32> -> vector<16xf32>
      %mul3A_155 = arith.constant 5.000000e-01 : f32
      %mul3A_156 = vector.broadcast %mul3A_155 : f32 to vector<16xf32>
      %mul3A_157 = arith.mulf %mul3A_156, %max3A_146 : vector<16xf32>
      %mul3A_158 = arith.mulf %mul3A_157, %bitcast_convert_type3A_154 : vector<16xf32>
      %mul3A_159 = arith.mulf %mul3A_158, %bitcast_convert_type3A_154 : vector<16xf32>
      %sub3A_160 = arith.constant 1.500000e+00 : f32
      %sub3A_161 = vector.broadcast %sub3A_160 : f32 to vector<16xf32>
      %sub3A_162 = arith.subf %sub3A_161, %mul3A_159 : vector<16xf32>
      %mul3A_163 = arith.mulf %bitcast_convert_type3A_154, %sub3A_162 : vector<16xf32>
      %mul3A_164 = arith.constant 5.000000e-01 : f32
      %mul3A_165 = vector.broadcast %mul3A_164 : f32 to vector<16xf32>
      %mul3A_166 = arith.mulf %mul3A_165, %max3A_146 : vector<16xf32>
      %mul3A_167 = arith.mulf %mul3A_166, %mul3A_163 : vector<16xf32>
      %mul3A_168 = arith.mulf %mul3A_167, %mul3A_163 : vector<16xf32>
      %sub3A_169 = arith.constant 1.500000e+00 : f32
      %sub3A_170 = vector.broadcast %sub3A_169 : f32 to vector<16xf32>
      %sub3A_171 = arith.subf %sub3A_170, %mul3A_168 : vector<16xf32>
      %mul3A_172 = arith.mulf %mul3A_163, %sub3A_171 : vector<16xf32>
      %mul3A_173 = arith.constant 5.000000e-01 : f32
      %mul3A_174 = vector.broadcast %mul3A_173 : f32 to vector<16xf32>
      %mul3A_175 = arith.mulf %mul3A_174, %max3A_146 : vector<16xf32>
      %mul3A_176 = arith.mulf %mul3A_175, %mul3A_172 : vector<16xf32>
      %mul3A_177 = arith.mulf %mul3A_176, %mul3A_172 : vector<16xf32>
      %sub3A_178 = arith.constant 1.500000e+00 : f32
      %sub3A_179 = vector.broadcast %sub3A_178 : f32 to vector<16xf32>
      %sub3A_180 = arith.subf %sub3A_179, %mul3A_177 : vector<16xf32>
      %mul3A_181 = arith.mulf %mul3A_172, %sub3A_180 : vector<16xf32>
      %mul3A_182 = arith.mulf %gather3A_132, %mul3A_181 : vector<16xf32>
      %mul3A_183 = arith.mulf %gather3A_139, %mul3A_181 : vector<16xf32>
      %mul3A_184 = arith.constant 10 : i32
      %mul3A_185 = vector.broadcast %mul3A_184 : i32 to vector<16xi32>
      %mul3A_186 = arith.muli %iota3A, %mul3A_185 : vector<16xi32>
      %broadcast_in_dim3A_187 = arith.constant -3.000000e+38 : f32
      %broadcast_in_dim3A_188 = vector.broadcast %broadcast_in_dim3A_187 : f32 to vector<16xf32>
      %broadcast_in_dim3A_189 = arith.constant 0.000000e+00 : f32
      %broadcast_in_dim3A_190 = vector.broadcast %broadcast_in_dim3A_189 : f32 to vector<16xf32>
      %mul3A_191 = arith.mulf %mul3A_182, %gather3A_67 : vector<16xf32>
      %mul3A_192 = arith.mulf %mul3A_183, %gather3A_69 : vector<16xf32>
      %add3A_193 = arith.addf %mul3A_191, %mul3A_192 : vector<16xf32>
      %add3A_194 = arith.constant 0 : i32
      %add3A_195 = vector.broadcast %add3A_194 : i32 to vector<16xi32>
      %add3A_196 = arith.addi %mul3A_186, %add3A_195 : vector<16xi32>
      tpu.vector_store_idx %arg10[%add3A_196], %add3A_193 : memref<160xf32, #tpu.memory_space<vmem>>[vector<16xi32>], vector<16xf32>,
      %max3A_197 = arith.maximumf %broadcast_in_dim3A_188, %add3A_193 : vector<16xf32>
      %eq3A_198 = arith.constant 0 : i32
      %eq3A_199 = vector.broadcast %eq3A_198 : i32 to vector<16xi32>
      %eq3A_200 = arith.cmpi eq, %get3A_140, %eq3A_199 : vector<16xi32>
      %jit3A = arith.constant 0.000000e+00 : f32
      %broadcast_in_dim3A_201 = vector.broadcast %jit3A : f32 to vector<16xf32>
      %select_n3A = arith.select %eq3A_200, %add3A_193, %broadcast_in_dim3A_201 : vector<16xi1>, vector<16xf32>
      %add3A_202 = arith.addf %broadcast_in_dim3A_190, %select_n3A : vector<16xf32>
      %mul3A_203 = arith.mulf %mul3A_182, %gather3A_73 : vector<16xf32>
      %mul3A_204 = arith.mulf %mul3A_183, %gather3A_75 : vector<16xf32>
      %add3A_205 = arith.addf %mul3A_203, %mul3A_204 : vector<16xf32>
      %add3A_206 = arith.constant 1 : i32
      %add3A_207 = vector.broadcast %add3A_206 : i32 to vector<16xi32>
      %add3A_208 = arith.addi %mul3A_186, %add3A_207 : vector<16xi32>
      tpu.vector_store_idx %arg10[%add3A_208], %add3A_205 : memref<160xf32, #tpu.memory_space<vmem>>[vector<16xi32>], vector<16xf32>,
      %max3A_209 = arith.maximumf %max3A_197, %add3A_205 : vector<16xf32>
      %eq3A_210 = arith.constant 1 : i32
      %eq3A_211 = vector.broadcast %eq3A_210 : i32 to vector<16xi32>
      %eq3A_212 = arith.cmpi eq, %get3A_140, %eq3A_211 : vector<16xi32>
      %jit3A_213 = arith.constant 0.000000e+00 : f32
      %broadcast_in_dim3A_214 = vector.broadcast %jit3A_213 : f32 to vector<16xf32>
      %select_n3A_215 = arith.select %eq3A_212, %add3A_205, %broadcast_in_dim3A_214 : vector<16xi1>, vector<16xf32>
      %add3A_216 = arith.addf %add3A_202, %select_n3A_215 : vector<16xf32>
      %mul3A_217 = arith.mulf %mul3A_182, %gather3A_79 : vector<16xf32>
      %mul3A_218 = arith.mulf %mul3A_183, %gather3A_81 : vector<16xf32>
      %add3A_219 = arith.addf %mul3A_217, %mul3A_218 : vector<16xf32>
      %add3A_220 = arith.constant 2 : i32
      %add3A_221 = vector.broadcast %add3A_220 : i32 to vector<16xi32>
      %add3A_222 = arith.addi %mul3A_186, %add3A_221 : vector<16xi32>
      tpu.vector_store_idx %arg10[%add3A_222], %add3A_219 : memref<160xf32, #tpu.memory_space<vmem>>[vector<16xi32>], vector<16xf32>,
      %max3A_223 = arith.maximumf %max3A_209, %add3A_219 : vector<16xf32>
      %eq3A_224 = arith.constant 2 : i32
      %eq3A_225 = vector.broadcast %eq3A_224 : i32 to vector<16xi32>
      %eq3A_226 = arith.cmpi eq, %get3A_140, %eq3A_225 : vector<16xi32>
      %jit3A_227 = arith.constant 0.000000e+00 : f32
      %broadcast_in_dim3A_228 = vector.broadcast %jit3A_227 : f32 to vector<16xf32>
      %select_n3A_229 = arith.select %eq3A_226, %add3A_219, %broadcast_in_dim3A_228 : vector<16xi1>, vector<16xf32>
      %add3A_230 = arith.addf %add3A_216, %select_n3A_229 : vector<16xf32>
      %mul3A_231 = arith.mulf %mul3A_182, %gather3A_85 : vector<16xf32>
      %mul3A_232 = arith.mulf %mul3A_183, %gather3A_87 : vector<16xf32>
      %add3A_233 = arith.addf %mul3A_231, %mul3A_232 : vector<16xf32>
      %add3A_234 = arith.constant 3 : i32
      %add3A_235 = vector.broadcast %add3A_234 : i32 to vector<16xi32>
      %add3A_236 = arith.addi %mul3A_186, %add3A_235 : vector<16xi32>
      tpu.vector_store_idx %arg10[%add3A_236], %add3A_233 : memref<160xf32, #tpu.memory_space<vmem>>[vector<16xi32>], vector<16xf32>,
      %max3A_237 = arith.maximumf %max3A_223, %add3A_233 : vector<16xf32>
      %eq3A_238 = arith.constant 3 : i32
      %eq3A_239 = vector.broadcast %eq3A_238 : i32 to vector<16xi32>
      %eq3A_240 = arith.cmpi eq, %get3A_140, %eq3A_239 : vector<16xi32>
      %jit3A_241 = arith.constant 0.000000e+00 : f32
      %broadcast_in_dim3A_242 = vector.broadcast %jit3A_241 : f32 to vector<16xf32>
      %select_n3A_243 = arith.select %eq3A_240, %add3A_233, %broadcast_in_dim3A_242 : vector<16xi1>, vector<16xf32>
      %add3A_244 = arith.addf %add3A_230, %select_n3A_243 : vector<16xf32>
      %mul3A_245 = arith.mulf %mul3A_182, %gather3A_91 : vector<16xf32>
      %mul3A_246 = arith.mulf %mul3A_183, %gather3A_93 : vector<16xf32>
      %add3A_247 = arith.addf %mul3A_245, %mul3A_246 : vector<16xf32>
      %add3A_248 = arith.constant 4 : i32
      %add3A_249 = vector.broadcast %add3A_248 : i32 to vector<16xi32>
      %add3A_250 = arith.addi %mul3A_186, %add3A_249 : vector<16xi32>
      tpu.vector_store_idx %arg10[%add3A_250], %add3A_247 : memref<160xf32, #tpu.memory_space<vmem>>[vector<16xi32>], vector<16xf32>,
      %max3A_251 = arith.maximumf %max3A_237, %add3A_247 : vector<16xf32>
      %eq3A_252 = arith.constant 4 : i32
      %eq3A_253 = vector.broadcast %eq3A_252 : i32 to vector<16xi32>
      %eq3A_254 = arith.cmpi eq, %get3A_140, %eq3A_253 : vector<16xi32>
      %jit3A_255 = arith.constant 0.000000e+00 : f32
      %broadcast_in_dim3A_256 = vector.broadcast %jit3A_255 : f32 to vector<16xf32>
      %select_n3A_257 = arith.select %eq3A_254, %add3A_247, %broadcast_in_dim3A_256 : vector<16xi1>, vector<16xf32>
      %add3A_258 = arith.addf %add3A_244, %select_n3A_257 : vector<16xf32>
      %mul3A_259 = arith.mulf %mul3A_182, %gather3A_97 : vector<16xf32>
      %mul3A_260 = arith.mulf %mul3A_183, %gather3A_99 : vector<16xf32>
      %add3A_261 = arith.addf %mul3A_259, %mul3A_260 : vector<16xf32>
      %add3A_262 = arith.constant 5 : i32
      %add3A_263 = vector.broadcast %add3A_262 : i32 to vector<16xi32>
      %add3A_264 = arith.addi %mul3A_186, %add3A_263 : vector<16xi32>
      tpu.vector_store_idx %arg10[%add3A_264], %add3A_261 : memref<160xf32, #tpu.memory_space<vmem>>[vector<16xi32>], vector<16xf32>,
      %max3A_265 = arith.maximumf %max3A_251, %add3A_261 : vector<16xf32>
      %eq3A_266 = arith.constant 5 : i32
      %eq3A_267 = vector.broadcast %eq3A_266 : i32 to vector<16xi32>
      %eq3A_268 = arith.cmpi eq, %get3A_140, %eq3A_267 : vector<16xi32>
      %jit3A_269 = arith.constant 0.000000e+00 : f32
      %broadcast_in_dim3A_270 = vector.broadcast %jit3A_269 : f32 to vector<16xf32>
      %select_n3A_271 = arith.select %eq3A_268, %add3A_261, %broadcast_in_dim3A_270 : vector<16xi1>, vector<16xf32>
      %add3A_272 = arith.addf %add3A_258, %select_n3A_271 : vector<16xf32>
      %mul3A_273 = arith.mulf %mul3A_182, %gather3A_103 : vector<16xf32>
      %mul3A_274 = arith.mulf %mul3A_183, %gather3A_105 : vector<16xf32>
      %add3A_275 = arith.addf %mul3A_273, %mul3A_274 : vector<16xf32>
      %add3A_276 = arith.constant 6 : i32
      %add3A_277 = vector.broadcast %add3A_276 : i32 to vector<16xi32>
      %add3A_278 = arith.addi %mul3A_186, %add3A_277 : vector<16xi32>
      tpu.vector_store_idx %arg10[%add3A_278], %add3A_275 : memref<160xf32, #tpu.memory_space<vmem>>[vector<16xi32>], vector<16xf32>,
      %max3A_279 = arith.maximumf %max3A_265, %add3A_275 : vector<16xf32>
      %eq3A_280 = arith.constant 6 : i32
      %eq3A_281 = vector.broadcast %eq3A_280 : i32 to vector<16xi32>
      %eq3A_282 = arith.cmpi eq, %get3A_140, %eq3A_281 : vector<16xi32>
      %jit3A_283 = arith.constant 0.000000e+00 : f32
      %broadcast_in_dim3A_284 = vector.broadcast %jit3A_283 : f32 to vector<16xf32>
      %select_n3A_285 = arith.select %eq3A_282, %add3A_275, %broadcast_in_dim3A_284 : vector<16xi1>, vector<16xf32>
      %add3A_286 = arith.addf %add3A_272, %select_n3A_285 : vector<16xf32>
      %mul3A_287 = arith.mulf %mul3A_182, %gather3A_109 : vector<16xf32>
      %mul3A_288 = arith.mulf %mul3A_183, %gather3A_111 : vector<16xf32>
      %add3A_289 = arith.addf %mul3A_287, %mul3A_288 : vector<16xf32>
      %add3A_290 = arith.constant 7 : i32
      %add3A_291 = vector.broadcast %add3A_290 : i32 to vector<16xi32>
      %add3A_292 = arith.addi %mul3A_186, %add3A_291 : vector<16xi32>
      tpu.vector_store_idx %arg10[%add3A_292], %add3A_289 : memref<160xf32, #tpu.memory_space<vmem>>[vector<16xi32>], vector<16xf32>,
      %max3A_293 = arith.maximumf %max3A_279, %add3A_289 : vector<16xf32>
      %eq3A_294 = arith.constant 7 : i32
      %eq3A_295 = vector.broadcast %eq3A_294 : i32 to vector<16xi32>
      %eq3A_296 = arith.cmpi eq, %get3A_140, %eq3A_295 : vector<16xi32>
      %jit3A_297 = arith.constant 0.000000e+00 : f32
      %broadcast_in_dim3A_298 = vector.broadcast %jit3A_297 : f32 to vector<16xf32>
      %select_n3A_299 = arith.select %eq3A_296, %add3A_289, %broadcast_in_dim3A_298 : vector<16xi1>, vector<16xf32>
      %add3A_300 = arith.addf %add3A_286, %select_n3A_299 : vector<16xf32>
      %mul3A_301 = arith.mulf %mul3A_182, %gather3A_115 : vector<16xf32>
      %mul3A_302 = arith.mulf %mul3A_183, %gather3A_117 : vector<16xf32>
      %add3A_303 = arith.addf %mul3A_301, %mul3A_302 : vector<16xf32>
      %add3A_304 = arith.constant 8 : i32
      %add3A_305 = vector.broadcast %add3A_304 : i32 to vector<16xi32>
      %add3A_306 = arith.addi %mul3A_186, %add3A_305 : vector<16xi32>
      tpu.vector_store_idx %arg10[%add3A_306], %add3A_303 : memref<160xf32, #tpu.memory_space<vmem>>[vector<16xi32>], vector<16xf32>,
      %max3A_307 = arith.maximumf %max3A_293, %add3A_303 : vector<16xf32>
      %eq3A_308 = arith.constant 8 : i32
      %eq3A_309 = vector.broadcast %eq3A_308 : i32 to vector<16xi32>
      %eq3A_310 = arith.cmpi eq, %get3A_140, %eq3A_309 : vector<16xi32>
      %jit3A_311 = arith.constant 0.000000e+00 : f32
      %broadcast_in_dim3A_312 = vector.broadcast %jit3A_311 : f32 to vector<16xf32>
      %select_n3A_313 = arith.select %eq3A_310, %add3A_303, %broadcast_in_dim3A_312 : vector<16xi1>, vector<16xf32>
      %add3A_314 = arith.addf %add3A_300, %select_n3A_313 : vector<16xf32>
      %mul3A_315 = arith.mulf %mul3A_182, %gather3A_121 : vector<16xf32>
      %mul3A_316 = arith.mulf %mul3A_183, %gather3A_123 : vector<16xf32>
      %add3A_317 = arith.addf %mul3A_315, %mul3A_316 : vector<16xf32>
      %add3A_318 = arith.constant 9 : i32
      %add3A_319 = vector.broadcast %add3A_318 : i32 to vector<16xi32>
      %add3A_320 = arith.addi %mul3A_186, %add3A_319 : vector<16xi32>
      tpu.vector_store_idx %arg10[%add3A_320], %add3A_317 : memref<160xf32, #tpu.memory_space<vmem>>[vector<16xi32>], vector<16xf32>,
      %max3A_321 = arith.maximumf %max3A_307, %add3A_317 : vector<16xf32>
      %eq3A_322 = arith.constant 9 : i32
      %eq3A_323 = vector.broadcast %eq3A_322 : i32 to vector<16xi32>
      %eq3A_324 = arith.cmpi eq, %get3A_140, %eq3A_323 : vector<16xi32>
      %jit3A_325 = arith.constant 0.000000e+00 : f32
      %broadcast_in_dim3A_326 = vector.broadcast %jit3A_325 : f32 to vector<16xf32>
      %select_n3A_327 = arith.select %eq3A_324, %add3A_317, %broadcast_in_dim3A_326 : vector<16xi1>, vector<16xf32>
      %add3A_328 = arith.addf %add3A_314, %select_n3A_327 : vector<16xf32>
      %mul3A_329 = arith.constant 7.812500e-03 : f32
      %mul3A_330 = vector.broadcast %mul3A_329 : f32 to vector<16xf32>
      %mul3A_331 = arith.mulf %add3A_328, %mul3A_330 : vector<16xf32>
      %mul3A_332 = arith.mulf %mul3A_331, %mul3A_331 : vector<16xf32>
      %sub3A_333 = arith.constant 1.000000e+00 : f32
      %sub3A_334 = vector.broadcast %sub3A_333 : f32 to vector<16xf32>
      %sub3A_335 = arith.subf %sub3A_334, %mul3A_332 : vector<16xf32>
      %max3A_336 = arith.constant 0.000000e+00 : f32
      %max3A_337 = vector.broadcast %max3A_336 : f32 to vector<16xf32>
      %max3A_338 = arith.maximumf %sub3A_335, %max3A_337 : vector<16xf32>
      %max3A_339 = arith.constant 1.000000e-30 : f32
      %max3A_340 = vector.broadcast %max3A_339 : f32 to vector<16xf32>
      %max3A_341 = arith.maximumf %max3A_338, %max3A_340 : vector<16xf32>
      %bitcast_convert_type3A_342 = tpu.bitcast %max3A_341 : vector<16xf32> -> vector<16xi32>
      %shift_right_arithmetic3A_343 = arith.constant 1 : i32
      %shift_right_arithmetic3A_344 = vector.broadcast %shift_right_arithmetic3A_343 : i32 to vector<16xi32>
      %shift_right_arithmetic3A_345 = arith.shrsi %bitcast_convert_type3A_342, %shift_right_arithmetic3A_344 : vector<16xi32>
      %sub3A_346 = arith.constant 1597463007 : i32
      %sub3A_347 = vector.broadcast %sub3A_346 : i32 to vector<16xi32>
      %sub3A_348 = arith.subi %sub3A_347, %shift_right_arithmetic3A_345 : vector<16xi32>
      %bitcast_convert_type3A_349 = tpu.bitcast %sub3A_348 : vector<16xi32> -> vector<16xf32>
      %mul3A_350 = arith.constant 5.000000e-01 : f32
      %mul3A_351 = vector.broadcast %mul3A_350 : f32 to vector<16xf32>
      %mul3A_352 = arith.mulf %mul3A_351, %max3A_341 : vector<16xf32>
      %mul3A_353 = arith.mulf %mul3A_352, %bitcast_convert_type3A_349 : vector<16xf32>
      %mul3A_354 = arith.mulf %mul3A_353, %bitcast_convert_type3A_349 : vector<16xf32>
      %sub3A_355 = arith.constant 1.500000e+00 : f32
      %sub3A_356 = vector.broadcast %sub3A_355 : f32 to vector<16xf32>
      %sub3A_357 = arith.subf %sub3A_356, %mul3A_354 : vector<16xf32>
      %mul3A_358 = arith.mulf %bitcast_convert_type3A_349, %sub3A_357 : vector<16xf32>
      %mul3A_359 = arith.constant 5.000000e-01 : f32
      %mul3A_360 = vector.broadcast %mul3A_359 : f32 to vector<16xf32>
      %mul3A_361 = arith.mulf %mul3A_360, %max3A_341 : vector<16xf32>
      %mul3A_362 = arith.mulf %mul3A_361, %mul3A_358 : vector<16xf32>
      %mul3A_363 = arith.mulf %mul3A_362, %mul3A_358 : vector<16xf32>
      %sub3A_364 = arith.constant 1.500000e+00 : f32
      %sub3A_365 = vector.broadcast %sub3A_364 : f32 to vector<16xf32>
      %sub3A_366 = arith.subf %sub3A_365, %mul3A_363 : vector<16xf32>
      %mul3A_367 = arith.mulf %mul3A_358, %sub3A_366 : vector<16xf32>
      %mul3A_368 = arith.mulf %max3A_338, %mul3A_367 : vector<16xf32>
      %mul3A_369 = arith.constant 0.995004177 : f32
      %mul3A_370 = vector.broadcast %mul3A_369 : f32 to vector<16xf32>
      %mul3A_371 = arith.mulf %add3A_328, %mul3A_370 : vector<16xf32>
      %mul3A_372 = arith.constant 12.778677 : f32
      %mul3A_373 = vector.broadcast %mul3A_372 : f32 to vector<16xf32>
      %mul3A_374 = arith.mulf %mul3A_373, %mul3A_368 : vector<16xf32>
      %sub3A_375 = arith.subf %mul3A_371, %mul3A_374 : vector<16xf32>
      %add3A_376 = arith.addi %mul3A_186, %get3A_140 : vector<16xi32>
      tpu.vector_store_idx %arg10[%add3A_376], %sub3A_375 : memref<160xf32, #tpu.memory_space<vmem>>[vector<16xi32>], vector<16xf32>,
      %mul3A_377 = arith.constant 10 : i32
      %mul3A_378 = arith.muli %mul3A_0, %mul3A_377 : i32
      %dma_start3A = tpu.memref_slice %arg6[%mul3A_378] : memref<1280xf32, #tpu.memory_space<hbm>> -> memref<160xf32, #tpu.memory_space<hbm>>
      %dma_start3A_379 = tpu.memref_slice %arg6[%mul3A_378] : memref<1280xf32, #tpu.memory_space<hbm>> -> memref<160xf32, #tpu.memory_space<hbm>>
      tpu.enqueue_dma source(%arg10 : memref<160xf32, #tpu.memory_space<vmem>>) target(%dma_start3A_379 : memref<160xf32, #tpu.memory_space<hbm>>) target_semaphore(%arg13 : memref<!tpu.dma_semaphore, #tpu.memory_space<semaphore_mem>>)
      %max3A_380 = arith.maximumf %max3A_321, %sub3A_375 : vector<16xf32>
      %broadcast_in_dim3A_381 = arith.constant 0.000000e+00 : f32
      %broadcast_in_dim3A_382 = vector.broadcast %broadcast_in_dim3A_381 : f32 to vector<16xf32>
      %eq3A_383 = arith.constant 0 : i32
      %eq3A_384 = vector.broadcast %eq3A_383 : i32 to vector<16xi32>
      %eq3A_385 = arith.cmpi eq, %get3A_140, %eq3A_384 : vector<16xi32>
      %select_n3A_386 = arith.select %eq3A_385, %sub3A_375, %add3A_193 : vector<16xi1>, vector<16xf32>
      %sub3A_387 = arith.subf %select_n3A_386, %max3A_380 : vector<16xf32>
      %exp3A = math.exp %sub3A_387 : vector<16xf32>
      %add3A_388 = arith.addf %broadcast_in_dim3A_382, %exp3A : vector<16xf32>
      %eq3A_389 = arith.constant 1 : i32
      %eq3A_390 = vector.broadcast %eq3A_389 : i32 to vector<16xi32>
      %eq3A_391 = arith.cmpi eq, %get3A_140, %eq3A_390 : vector<16xi32>
      %select_n3A_392 = arith.select %eq3A_391, %sub3A_375, %add3A_205 : vector<16xi1>, vector<16xf32>
      %sub3A_393 = arith.subf %select_n3A_392, %max3A_380 : vector<16xf32>
      %exp3A_394 = math.exp %sub3A_393 : vector<16xf32>
      %add3A_395 = arith.addf %add3A_388, %exp3A_394 : vector<16xf32>
      %eq3A_396 = arith.constant 2 : i32
      %eq3A_397 = vector.broadcast %eq3A_396 : i32 to vector<16xi32>
      %eq3A_398 = arith.cmpi eq, %get3A_140, %eq3A_397 : vector<16xi32>
      %select_n3A_399 = arith.select %eq3A_398, %sub3A_375, %add3A_219 : vector<16xi1>, vector<16xf32>
      %sub3A_400 = arith.subf %select_n3A_399, %max3A_380 : vector<16xf32>
      %exp3A_401 = math.exp %sub3A_400 : vector<16xf32>
      %add3A_402 = arith.addf %add3A_395, %exp3A_401 : vector<16xf32>
      %eq3A_403 = arith.constant 3 : i32
      %eq3A_404 = vector.broadcast %eq3A_403 : i32 to vector<16xi32>
      %eq3A_405 = arith.cmpi eq, %get3A_140, %eq3A_404 : vector<16xi32>
      %select_n3A_406 = arith.select %eq3A_405, %sub3A_375, %add3A_233 : vector<16xi1>, vector<16xf32>
      %sub3A_407 = arith.subf %select_n3A_406, %max3A_380 : vector<16xf32>
      %exp3A_408 = math.exp %sub3A_407 : vector<16xf32>
      %add3A_409 = arith.addf %add3A_402, %exp3A_408 : vector<16xf32>
      %eq3A_410 = arith.constant 4 : i32
      %eq3A_411 = vector.broadcast %eq3A_410 : i32 to vector<16xi32>
      %eq3A_412 = arith.cmpi eq, %get3A_140, %eq3A_411 : vector<16xi32>
      %select_n3A_413 = arith.select %eq3A_412, %sub3A_375, %add3A_247 : vector<16xi1>, vector<16xf32>
      %sub3A_414 = arith.subf %select_n3A_413, %max3A_380 : vector<16xf32>
      %exp3A_415 = math.exp %sub3A_414 : vector<16xf32>
      %add3A_416 = arith.addf %add3A_409, %exp3A_415 : vector<16xf32>
      %eq3A_417 = arith.constant 5 : i32
      %eq3A_418 = vector.broadcast %eq3A_417 : i32 to vector<16xi32>
      %eq3A_419 = arith.cmpi eq, %get3A_140, %eq3A_418 : vector<16xi32>
      %select_n3A_420 = arith.select %eq3A_419, %sub3A_375, %add3A_261 : vector<16xi1>, vector<16xf32>
      %sub3A_421 = arith.subf %select_n3A_420, %max3A_380 : vector<16xf32>
      %exp3A_422 = math.exp %sub3A_421 : vector<16xf32>
      %add3A_423 = arith.addf %add3A_416, %exp3A_422 : vector<16xf32>
      %eq3A_424 = arith.constant 6 : i32
      %eq3A_425 = vector.broadcast %eq3A_424 : i32 to vector<16xi32>
      %eq3A_426 = arith.cmpi eq, %get3A_140, %eq3A_425 : vector<16xi32>
      %select_n3A_427 = arith.select %eq3A_426, %sub3A_375, %add3A_275 : vector<16xi1>, vector<16xf32>
      %sub3A_428 = arith.subf %select_n3A_427, %max3A_380 : vector<16xf32>
      %exp3A_429 = math.exp %sub3A_428 : vector<16xf32>
      %add3A_430 = arith.addf %add3A_423, %exp3A_429 : vector<16xf32>
      %eq3A_431 = arith.constant 7 : i32
      %eq3A_432 = vector.broadcast %eq3A_431 : i32 to vector<16xi32>
      %eq3A_433 = arith.cmpi eq, %get3A_140, %eq3A_432 : vector<16xi32>
      %select_n3A_434 = arith.select %eq3A_433, %sub3A_375, %add3A_289 : vector<16xi1>, vector<16xf32>
      %sub3A_435 = arith.subf %select_n3A_434, %max3A_380 : vector<16xf32>
      %exp3A_436 = math.exp %sub3A_435 : vector<16xf32>
      %add3A_437 = arith.addf %add3A_430, %exp3A_436 : vector<16xf32>
      %eq3A_438 = arith.constant 8 : i32
      %eq3A_439 = vector.broadcast %eq3A_438 : i32 to vector<16xi32>
      %eq3A_440 = arith.cmpi eq, %get3A_140, %eq3A_439 : vector<16xi32>
      %select_n3A_441 = arith.select %eq3A_440, %sub3A_375, %add3A_303 : vector<16xi1>, vector<16xf32>
      %sub3A_442 = arith.subf %select_n3A_441, %max3A_380 : vector<16xf32>
      %exp3A_443 = math.exp %sub3A_442 : vector<16xf32>
      %add3A_444 = arith.addf %add3A_437, %exp3A_443 : vector<16xf32>
      %eq3A_445 = arith.constant 9 : i32
      %eq3A_446 = vector.broadcast %eq3A_445 : i32 to vector<16xi32>
      %eq3A_447 = arith.cmpi eq, %get3A_140, %eq3A_446 : vector<16xi32>
      %select_n3A_448 = arith.select %eq3A_447, %sub3A_375, %add3A_317 : vector<16xi1>, vector<16xf32>
      %sub3A_449 = arith.subf %select_n3A_448, %max3A_380 : vector<16xf32>
      %exp3A_450 = math.exp %sub3A_449 : vector<16xf32>
      %add3A_451 = arith.addf %add3A_444, %exp3A_450 : vector<16xf32>
      %bitcast_convert_type3A_452 = tpu.bitcast %add3A_451 : vector<16xf32> -> vector<16xi32>
      %shift_right_arithmetic3A_453 = arith.constant 23 : i32
      %shift_right_arithmetic3A_454 = vector.broadcast %shift_right_arithmetic3A_453 : i32 to vector<16xi32>
      %shift_right_arithmetic3A_455 = arith.shrsi %bitcast_convert_type3A_452, %shift_right_arithmetic3A_454 : vector<16xi32>
      %sub3A_456 = arith.constant 127 : i32
      %sub3A_457 = vector.broadcast %sub3A_456 : i32 to vector<16xi32>
      %sub3A_458 = arith.subi %shift_right_arithmetic3A_455, %sub3A_457 : vector<16xi32>
      %and3A = arith.constant 8388607 : i32
      %and3A_459 = vector.broadcast %and3A : i32 to vector<16xi32>
      %and3A_460 = arith.andi %bitcast_convert_type3A_452, %and3A_459 : vector<16xi32>
      %or3A = arith.constant 1065353216 : i32
      %or3A_461 = vector.broadcast %or3A : i32 to vector<16xi32>
      %or3A_462 = arith.ori %and3A_460, %or3A_461 : vector<16xi32>
      %bitcast_convert_type3A_463 = tpu.bitcast %or3A_462 : vector<16xi32> -> vector<16xf32>
      %gt3A = arith.constant 1.41421354 : f32
      %gt3A_464 = vector.broadcast %gt3A : f32 to vector<16xf32>
      %gt3A_465 = arith.cmpf ogt, %bitcast_convert_type3A_463, %gt3A_464 : vector<16xf32>
      %mul3A_466 = arith.constant 5.000000e-01 : f32
      %mul3A_467 = vector.broadcast %mul3A_466 : f32 to vector<16xf32>
      %mul3A_468 = arith.mulf %bitcast_convert_type3A_463, %mul3A_467 : vector<16xf32>
      %select_n3A_469 = arith.select %gt3A_465, %mul3A_468, %bitcast_convert_type3A_463 : vector<16xi1>, vector<16xf32>
      %jit3A_470 = arith.constant 1 : i32
      %jit3A_471 = arith.constant 0 : i32
      %broadcast_in_dim3A_472 = vector.broadcast %jit3A_470 : i32 to vector<16xi32>
      %broadcast_in_dim3A_473 = vector.broadcast %jit3A_471 : i32 to vector<16xi32>
      %select_n3A_474 = arith.select %gt3A_465, %broadcast_in_dim3A_472, %broadcast_in_dim3A_473 : vector<16xi1>, vector<16xi32>
      %add3A_475 = arith.addi %sub3A_458, %select_n3A_474 : vector<16xi32>
      %sub3A_476 = arith.constant 1.000000e+00 : f32
      %sub3A_477 = vector.broadcast %sub3A_476 : f32 to vector<16xf32>
      %sub3A_478 = arith.subf %select_n3A_469, %sub3A_477 : vector<16xf32>
      %add3A_479 = arith.constant 1.000000e+00 : f32
      %add3A_480 = vector.broadcast %add3A_479 : f32 to vector<16xf32>
      %add3A_481 = arith.addf %select_n3A_469, %add3A_480 : vector<16xf32>
      %div3A = arith.divf %sub3A_478, %add3A_481 : vector<16xf32>
      %mul3A_482 = arith.mulf %div3A, %div3A : vector<16xf32>
      %mul3A_483 = arith.constant 0.285714298 : f32
      %mul3A_484 = vector.broadcast %mul3A_483 : f32 to vector<16xf32>
      %mul3A_485 = arith.mulf %mul3A_482, %mul3A_484 : vector<16xf32>
      %add3A_486 = arith.constant 4.000000e-01 : f32
      %add3A_487 = vector.broadcast %add3A_486 : f32 to vector<16xf32>
      %add3A_488 = arith.addf %add3A_487, %mul3A_485 : vector<16xf32>
      %mul3A_489 = arith.mulf %mul3A_482, %add3A_488 : vector<16xf32>
      %add3A_490 = arith.constant 0.666666686 : f32
      %add3A_491 = vector.broadcast %add3A_490 : f32 to vector<16xf32>
      %add3A_492 = arith.addf %add3A_491, %mul3A_489 : vector<16xf32>
      %mul3A_493 = arith.mulf %mul3A_482, %add3A_492 : vector<16xf32>
      %add3A_494 = arith.constant 2.000000e+00 : f32
      %add3A_495 = vector.broadcast %add3A_494 : f32 to vector<16xf32>
      %add3A_496 = arith.addf %add3A_495, %mul3A_493 : vector<16xf32>
      %mul3A_497 = arith.mulf %div3A, %add3A_496 : vector<16xf32>
      %convert_element_type3A_498 = arith.sitofp %add3A_475 : vector<16xi32> to vector<16xf32>
      %mul3A_499 = arith.constant 0.693147182 : f32
      %mul3A_500 = vector.broadcast %mul3A_499 : f32 to vector<16xf32>
      %mul3A_501 = arith.mulf %convert_element_type3A_498, %mul3A_500 : vector<16xf32>
      %add3A_502 = arith.addf %mul3A_501, %mul3A_497 : vector<16xf32>
      %add3A_503 = arith.addf %max3A_380, %add3A_502 : vector<16xf32>
      %sub3A_504 = arith.subf %add3A_503, %sub3A_375 : vector<16xf32>
      %reduce_sum3A = arith.constant true
      %reduce_sum3A_505 = vector.broadcast %reduce_sum3A : i1 to vector<16xi1>
      %reduce_sum3A_506 = tpu.scan <sum>, %sub3A_504 masked %reduce_sum3A_505 : vector<16xf32>, vector<16xi1> -> vector<16xf32>
      %reduce_sum3A_507 = vector.extract %reduce_sum3A_506[15] : f32 from vector<16xf32>
      %mul3A_508 = arith.constant 3.276800e+04 : f32
      %mul3A_509 = arith.mulf %reduce_sum3A_507, %mul3A_508 : f32
      %convert_element_type3A_510 = arith.fptosi %mul3A_509 : f32 to i32
      %sc_fetch_and_add3A = arith.constant 0 : i32
      %sc_fetch_and_add3A_511 = arith.constant 0 : i32
      %sc_fetch_and_add3A_512 = tpu.fetch_and_add_sync %arg12[%sc_fetch_and_add3A], %convert_element_type3A_510, %sc_fetch_and_add3A_511 : memref<1xi32, #tpu.memory_space<smem>>, i32 -> i32
      %mul3A_513 = arith.constant 10 : i32
      %mul3A_514 = arith.muli %mul3A_0, %mul3A_513 : i32
      %dma_wait3A_515 = tpu.memref_slice %arg6[%mul3A_514] : memref<1280xf32, #tpu.memory_space<hbm>> -> memref<160xf32, #tpu.memory_space<hbm>>
      %dma_wait3A_516 = tpu.memref_slice %arg6[%mul3A_514] : memref<1280xf32, #tpu.memory_space<hbm>> -> memref<160xf32, #tpu.memory_space<hbm>>
      tpu.wait_dma2 semaphore(%arg13 : memref<!tpu.dma_semaphore, #tpu.memory_space<semaphore_mem>>) src(%arg10 : memref<160xf32, #tpu.memory_space<vmem>>) dst(%dma_wait3A_516 : memref<160xf32, #tpu.memory_space<hbm>>)
    } else {
    }
    %barrier3A_12 = arith.constant 0 : index
    tpu.barrier barrier_id(%barrier3A_12)
    %eq3A_13 = arith.constant 0 : i32
    %eq3A_14 = arith.cmpi eq, %arg1, %eq3A_13 : i32
    %convert_element_type3A_15 = arith.extui %eq3A_14 : i1 to i32
    %cond3A_16 = arith.constant 0 : i32
    %cond3A_17 = arith.cmpi ne, %convert_element_type3A_15, %cond3A_16 : i32
    scf.if %cond3A_17 {
      %get3A = arith.constant 0 : i32
      %get3A_18 = arith.index_cast %get3A : i32 to index
      %get3A_19 = memref.load %arg12[%get3A_18] : memref<1xi32, #tpu.memory_space<smem>>
      %convert_element_type3A_20 = arith.sitofp %get3A_19 : i32 to f32
      %mul3A_21 = arith.constant 2.38418579E-7 : f32
      %mul3A_22 = arith.mulf %convert_element_type3A_20, %mul3A_21 : f32
      %broadcast_in_dim3A = vector.broadcast %mul3A_22 : f32 to vector<16xf32>
      %swap3A = arith.constant 0 : index
      %swap3A_23 = tpu.vector_load %arg11[%swap3A] {strides = array<i32>} : memref<16xf32, #tpu.memory_space<vmem>>, vector<16xf32>,
      tpu.vector_store %arg11[%swap3A], %broadcast_in_dim3A {strides = array<i32>} : memref<16xf32, #tpu.memory_space<vmem>>, vector<16xf32>,
      "tpu.region"() ({
        %run_scoped3A = tpu.sem_alloc : memref<!tpu.dma_semaphore, #tpu.memory_space<semaphore_mem>>
        %dma_start3A = arith.constant 0 : i32
        %dma_start3A_24 = tpu.memref_slice %arg11[%dma_start3A] : memref<16xf32, #tpu.memory_space<vmem>> -> memref<8xf32, #tpu.memory_space<vmem>>
        %dma_start3A_25 = arith.constant 0 : i32
        %dma_start3A_26 = tpu.memref_slice %arg11[%dma_start3A_25] : memref<16xf32, #tpu.memory_space<vmem>> -> memref<8xf32, #tpu.memory_space<vmem>>
        tpu.enqueue_dma source(%dma_start3A_26 : memref<8xf32, #tpu.memory_space<vmem>>) target(%arg5 : memref<8xf32, #tpu.memory_space<hbm>>) target_semaphore(%run_scoped3A : memref<!tpu.dma_semaphore, #tpu.memory_space<semaphore_mem>>)
        %dma_wait3A = arith.constant 0 : i32
        %dma_wait3A_27 = tpu.memref_slice %arg11[%dma_wait3A] : memref<16xf32, #tpu.memory_space<vmem>> -> memref<8xf32, #tpu.memory_space<vmem>>
        %dma_wait3A_28 = arith.constant 0 : i32
        %dma_wait3A_29 = tpu.memref_slice %arg11[%dma_wait3A_28] : memref<16xf32, #tpu.memory_space<vmem>> -> memref<8xf32, #tpu.memory_space<vmem>>
        tpu.wait_dma2 semaphore(%run_scoped3A : memref<!tpu.dma_semaphore, #tpu.memory_space<semaphore_mem>>) src(%dma_wait3A_29 : memref<8xf32, #tpu.memory_space<vmem>>) dst(%arg5 : memref<8xf32, #tpu.memory_space<hbm>>)
        tpu.yield
      }) : () -> ()
    } else {
    }
    return
  }
}

</mosaic_0001>

<sc_bundles>
// kernel: kernel.3.cloned.1.call-start
scs
__scs_entry_jumppad:
0x0: {  	(pc) =	sbr.rel $0x88, $3  }
0x1: {  	(tag) =	ssettag $0x0;
	lr =	simm.s32 $0x1  }
0x2: {  	[smem:$0x3F9E] =	sst lr;
	_ =	strace $0xD0000000  }
0x3: {  	_ = 	snop  }
0x4: {  	_ = 	snop  }
0x5: {  	_ = 	snop  }
0x6: {  	_ = 	snop  }
0x7: {  	_ = 	snop  }
__scs_overlays_trampoline_lowered:
0x8: {  	[smem:$0x3FAD] =	sst s0  }
0x9: {  	[smem:$0x3FAE] =	sst s1  }
0xa: {  	[smem:$0x3FAF] =	sst s2  }
0xb: {  	[smem:$0x3FB0] =	sst s3  }
0xc: {  	[smem:$0x3FB1] =	sst s4  }
0xd: {  	[smem:$0x3FB2] =	sst s5  }
0xe: {  	[smem:$0x3FB3] =	sst s6  }
0xf: {  	[smem:$0x3FB4] =	sst s7  }
0x10: {  	[smem:$0x3FB5] =	sst s8  }
0x11: {  	[smem:$0x3FB6] =	sst s9;
	s0 =	simm.s32 @!p0 $0x0  }
0x12: {  	s1 =	sld [smem:$0x3F9C];
	s0 =	simm.s32 @p0 $0x1  }
0x13: {  	[smem:$0x3FB7] =	sst s0;
	s0 =	simm.s32 @!p1 $0x0  }
0x14: {  	s2 =	sld [smem:$0x3F9B];
	s0 =	simm.s32 @p1 $0x1  }
0x15: {  	[smem:$0x3FB8] =	sst s0;
	s0 =	simm.s32 @!p2 $0x0  }
0x16: {  	s3 =	sld [smem:$0x3FDB];
	s0 =	simm.s32 @p2 $0x1  }
0x17: {  	s4 =	simm.s32 $0x1BF5;
	[smem:$0x3FBA] =	sst s0  }
0x18: {  	s0 =	sld [smem:$0x3F9D];
	_ =	swait.ge [sflag:s4], $0x0  }
0x19: {  	s7 =	sld [smem:$0x3F9E]  }
0x1a: {  	s8 =	sadd.s32 $0xFFFFE003, lr  }
0x1b: {  	s9 =	sadd.s32 $0xFFFFFEF7, lr;
	s5 =	simm.s32 $0xFFFFFFFF;
	p2 =	slt.u32 s8, $0xFFFFF086  }
0x1c: {  	p1 =	slt.u32 s9, $0xF7A;
	s5 =	simm.s32 @!p2 $0x0  }
0x1d: {  	s5 =	simm.s32 @p1 $0x1;
	p0 =	seq.s32 s7, s2  }
0x1e: {  	s7 =	smul.u32 @!p0 $0xF7A, s2;
	p2 =	seq.s32 @!p0 s5, $0x0  }
0x1f: {  	s9 =	smul.u32 $0xF7A, s1;
	s8 =	simm.s32 @!p0 $0x1BF5;
	p2 =	por !p2, p0  }
0x20: {  	[sflag:s8] =	ssyncset.s32 @!p0 $0xFFFFF086;
	s6 =	sadd.s32 @!p0 s3, s7;
	s7 =	simm.s32 @!p0 $0x108  }
0x21: {  	s3 =	sadd.s32 s3, s9;
	s6 =	sadd.s32 @!p0 $0x88, s6;
	s7 =	simm.s32 @p2 $0x1082  }
0x22: {  	[simem:s7], [sflag:s8] =	dma.local @!p0 [hbm:s6], $0xF7A  }
0x23: {  	s9 =	sor.u32 $0xD0000000, s2;
	s6 =	simm.s32 $0x108;
	_ =	swait.ge @!p0 [sflag:s8], $0x0  }
0x24: {  	s3 =	sadd.s32 $0x88, s3;
	s6 =	simm.s32 @!p1 $0x1082;
	[sflag:s4] =	ssyncset.s32 $0xFFFFF086  }
0x25: {  	[simem:s6], [sflag:s4] =	dma.local [hbm:s3], $0xF7A  }
0x26: {  	[smem:$0x3F9E] =	sst s1;
	(tag) =	ssettag s2;
	_ =	strace s9  }
0x27: {  	s1 =	sld [smem:$0x3FAE]  }
0x28: {  	s2 =	sld [smem:$0x3FAF]  }
0x29: {  	s4 =	sld [smem:$0x3FB1]  }
0x2a: {  	p0 =	seq.s32 s5, $0x0;
	s5 =	sld [smem:$0x3FB2]  }
0x2b: {  	s6 =	sld [smem:$0x3FB3]  }
0x2c: {  	s7 =	sld [smem:$0x3FB4]  }
0x2d: {  	s3 =	simm.s32 $0x108;
	s8 =	sld [smem:$0x3FB5]  }
0x2e: {  	s3 =	simm.s32 @!p0 $0x1082;
	s9 =	sld [smem:$0x3FB6]  }
0x2f: {  	lr =	sadd.s32 s0, s3;
	s0 =	sld [smem:$0x3FAD]  }
0x30: {  	s3 =	sld [smem:$0x3FB0]  }
0x31: {  	[smem:$0x3FB9] =	sst s10  }
0x32: {  	s10 =	sld [smem:$0x3FB7];
	_ =	sdelay $0x3  }
0x33: {  	p0 =	seq.s32 s10, $0x1;
	s10 =	sld [smem:$0x3FB9];
	_ =	sdelay $0x3  }
0x34: {  	[smem:$0x3FB9] =	sst s10  }
0x35: {  	s10 =	sld [smem:$0x3FB8];
	_ =	sdelay $0x3  }
0x36: {  	p1 =	seq.s32 s10, $0x1;
	s10 =	sld [smem:$0x3FB9];
	_ =	sdelay $0x3  }
0x37: {  	[smem:$0x3FB9] =	sst s10  }
0x38: {  	s10 =	sld [smem:$0x3FBA]  }
0x39: {  	_ = 	snop;
	(pc) =	sbr.ind lr, $3  }
0x3a: {  	_ = 	snop  }
0x3b: {  	_ = 	snop  }
0x3c: {  	p2 =	seq.s32 s10, $0x1;
	s10 =	sld [smem:$0x3FB9]  }
0x3d: {  	_ =	shalt  }
0x3e: {  	_ =	shalt  }
0x3f: {  	_ =	shalt  }
0x40: {  	_ =	shalt  }
0x41: {  	_ =	shalt  }
0x42: {  	_ =	shalt  }
0x43: {  	_ =	shalt  }
0x44: {  	_ =	shalt  }
0x45: {  	_ =	shalt  }
0x46: {  	_ =	shalt  }
0x47: {  	_ =	shalt  }
0x48: {  	_ =	shalt  }
0x49: {  	_ =	shalt  }
0x4a: {  	_ =	shalt  }
0x4b: {  	_ =	shalt  }
0x4c: {  	_ =	shalt  }
0x4d: {  	_ =	shalt  }
0x4e: {  	_ =	shalt  }
0x4f: {  	_ =	shalt  }
0x50: {  	_ =	shalt  }
0x51: {  	_ =	shalt  }
0x52: {  	_ =	shalt  }
0x53: {  	_ =	shalt  }
0x54: {  	_ =	shalt  }
0x55: {  	_ =	shalt  }
0x56: {  	_ =	shalt  }
0x57: {  	_ =	shalt  }
0x58: {  	_ =	shalt  }
0x59: {  	_ =	shalt  }
0x5a: {  	_ =	shalt  }
0x5b: {  	_ =	shalt  }
0x5c: {  	_ =	shalt  }
0x5d: {  	_ =	shalt  }
0x5e: {  	_ =	shalt  }
0x5f: {  	_ =	shalt  }
0x60: {  	_ =	shalt  }
0x61: {  	_ =	shalt  }
0x62: {  	_ =	shalt  }
0x63: {  	_ =	shalt  }
0x64: {  	_ =	shalt  }
0x65: {  	_ =	shalt  }
0x66: {  	_ =	shalt  }
0x67: {  	_ =	shalt  }
0x68: {  	_ =	shalt  }
0x69: {  	_ =	shalt  }
0x6a: {  	_ =	shalt  }
0x6b: {  	_ =	shalt  }
0x6c: {  	_ =	shalt  }
0x6d: {  	_ =	shalt  }
0x6e: {  	_ =	shalt  }
0x6f: {  	_ =	shalt  }
0x70: {  	_ =	shalt  }
0x71: {  	_ =	shalt  }
0x72: {  	_ =	shalt  }
0x73: {  	_ =	shalt  }
0x74: {  	_ =	shalt  }
0x75: {  	_ =	shalt  }
0x76: {  	_ =	shalt  }
0x77: {  	_ =	shalt  }
0x78: {  	_ =	shalt  }
0x79: {  	_ =	shalt  }
0x7a: {  	_ =	shalt  }
0x7b: {  	_ =	shalt  }
0x7c: {  	_ =	shalt  }
0x7d: {  	_ =	shalt  }
0x7e: {  	_ =	shalt  }
0x7f: {  	_ =	shalt  }
0x80: {  	_ =	shalt  }
0x81: {  	_ =	shalt  }
0x82: {  	_ =	shalt  }
0x83: {  	_ =	shalt  }
0x84: {  	_ =	shalt  }
0x85: {  	_ =	shalt  }
0x86: {  	_ =	shalt  }
0x87: {  	_ =	shalt  }
.Lfunc_end0:
.L_simem_size_0:
called_computation_lowered:
.L_overlay_start_0:
0x88: {  	s0 =	sld [smem:$0x3FD9]  }
0x89: {  	s1 =	sld [smem:$0x3FFE];
	_ =	sdelay $0x3  }
0x8a: {  	s0 =	sadd.s32 s1, s0  }
0x8b: {  	[smem:$0x3FC5] =	sst s0  }
0x8c: {  	_ = 	snop  }
0x8d: {  	s0 =	sld [smem:$0x3FD0];
	_ =	sdelay $0x2  }
0x8e: {  	s2 =	simm.s32 $0xA;
	s3 =	simm.s32 $0x10;
	s13 =	sld [smem:$0x3FC8]  }
0x8f: {  	[smem:s3], [sflag:s2] =	dma.local [hbm:s0], $0x1  }
0x90: {  	_ =	swait.eq [sflag:s2], $0x1  }
0x91: {  	[sflag:s2] =	ssyncset.done $0x0  }
0x92: {  	s14 =	sld [smem:$0x10];
	[sflag:s2] =	ssyncadd.s32 $0xFFFFFFFF  }
0x93: {  	s15 =	sld [smem:$0x11];
	(tm) =	ssettm $0x1  }
0x94: {  	s16 =	sld [smem:$0x3FFB];
	_ =	sdelay $0x3  }
0x95: {  	_ =	strace s16  }
0x96: {  	s3 =	sld [smem:$0x3FFC];
	_ =	sdelay $0x3  }
0x97: {  	_ =	strace s3  }
0x98: {  	s3 =	sld [smem:$0x3FFD];
	_ =	sdelay $0x3  }
0x99: {  	_ =	strace s3  }
0x9a: {  	_ =	strace $0x8FFFFFFF  }
0x9b: {  	s17 =	sld [smem:$0x3FDB];
	_ =	sdelay $0x1  }
0x9c: {  	s4 =	simm.s32 $_scs_section_size  }
0x9d: {  	s5 =	simm.s32 $_size__tile_overlayer_lowered;
	s6 =	simm.s32 $_tile_overlayer_lowered  }
0x9e: {  	s20 =	simm.s32 $0x1BFF;
	s19 =	sshll.u32 s6, $0x1;
	s3 =	sadd.s32 s4, s17  }
0x9f: {  	s7 =	simm.s32 $0x0;
	s18 =	sshll.u32 s5, $0x1;
	s5 =	sadd.s32 s19, s3  }
0xa0: {  	[timem:s7], [sflag:s20] =	dma.local [hbm:s5], s18  }
0xa1: {  	_ =	swait.ge [sflag:s20], s18  }
0xa2: {  	s4 =	ssub.s32 $0x0, s18;
	[sflag:s20] =	ssyncset.done $0x0  }
0xa3: {  	[sflag:s20] =	ssyncadd.s32 s4;
	_ =	sdelay $0x1  }
0xa4: {  	s21 =	simm.s32 $0x1B8B  }
0xa5: {  	_ =	swait.ge [sflag:s21], $0x1  }
0xa6: {  	[sflag:s21] =	ssyncset.done $0x0  }
0xa7: {  	s23 =	simm.s32 $0x1B8E;
	s22 =	sld [smem:$0x3FFE];
	[sflag:s21] =	ssyncadd.s32 $0xFFFFFFFF  }
0xa8: {  	s24 =	simm.s32 $execute0_lowered;
	[smem:$0x3FD2] =	sst s23  }
0xa9: {  	s5 =	sshll.u32 s24, $0x1;
	_ =	strace $0x80000046;
	[dreg:$0x1] =	wrdreg $0xFFFFFFFF  }
0xaa: {  	s25 =	simm.s32 $_size_execute0_lowered;
	s3 =	sadd.s32 s3, s5;
	[dreg:$0x0] =	wrdreg $0x0  }
0xab: {  	s5 =	sshll.u32 s25, $0x1;
	[dreg:$0x2] =	wrdreg s3  }
0xac: {  	[dreg:$0x3] =	wrdreg s5  }
0xad: {  	[dreg:$0x4] =	wrdreg $0xC0  }
0xae: {  	_ =	task [dreg:s7], $0x5FFFF  }
0xaf: {  	[dreg:$0x1] =	wrdreg $0xFFFFFFFF  }
0xb0: {  	[dreg:$0x0] =	wrdreg $0x60  }
0xb1: {  	[dreg:$0x2] =	wrdreg s22  }
0xb2: {  	[dreg:$0x3] =	wrdreg s13  }
0xb3: {  	[dreg:$0x4] =	wrdreg s14  }
0xb4: {  	[dreg:$0x5] =	wrdreg s15  }
0xb5: {  	[dreg:$0x6] =	wrdreg $0x9  }
0xb6: {  	_ =	task.clear_ibuf [dreg:s7], $0x7FFFF;
	_ =	strace $0x90000046  }
0xb7: {  	s26 =	simm.s32 $0x9;
	_ =	strace $0x80000048  }
0xb8: {  	_ =	swait.ge [sflag:s26], $0x1  }
0xb9: {  	[sflag:s26] =	ssyncadd.s32 $0xFFFFFFFF  }
0xba: {  	_ =	strace $0x90000048  }
0xbb: {  	_ =	sfence  }
0xbc: {  	s28 =	sld [smem:$0x0];
	_ =	sdelay $0x1  }
0xbd: {  	s29 =	srdreg.scid  }
0xbe: {  	s30 =	sshll.u32 s29, $0xD;
	s31 =	sshrl.u32 s29, $0x2  }
0xbf: {  	s1 =	sand.u32 $0x1, s29;
	s2 =	sand.u32 $0x4000, s30;
	s0 =	sadd.s32 s31, s28  }
0xc0: {  	s1 =	sor.u32 s2, s1;
	s0 =	sshll.u32 s0, $0x11  }
0xc1: {  	s0 =	sor.u32 s0, s1  }
0xc2: {  	s0 =	sadd.s32 $0x8F2B, s0  }
0xc3: {  	[sflag:s0] =	ssyncadd.remote.s32 $0x1  }
0xc4: {  	_ =	sfence.sel $0xFFFF  }
0xc5: {  	[dreg:$0x0] =	wrdreg $0xFFFFFFFF;
	(pc) =	sbr.abs _section_cstart, $3  }
0xc6: {  	[dreg:$0x1] =	wrdreg $0xFFFFFFFF  }
0xc7: {  	_ =	task.clear_ibuf [dreg:s7], $0x2FFFF;
	_ =	strace $0x9FFFFFFF  }
0xc8: {  	(tm) =	ssettm $0x7FFFFFFF  }
0xc9: {  	_ =	shalt  }
tec
execute0_lowered:
.L_overlay_start_1:
0x0: {  	(tag) =	ssettag $0x1  }
0x1: {  	s6 =	stileid.u32  }
0x2: {  	s3 =	rddreg [dreg:$0x0];
	p1 =	sgt.u32 s6, $0x7  }
.Ltmp0:
0x3: {  	s5 =	rddreg [dreg:$0x1];
	(pc) =	sbr.rel @p1 .LBB2_4-.Ltmp0, $4  }
0x4: {  	s1 =	rddreg [dreg:$0x2]  }
0x5: {  	s2 =	rddreg [dreg:$0x3];
	s4 =	simm.s32 $0x0  }
0x6: {  	[smem:$0x7FF] =	sst s4  }
0x7: {  	s0 =	rddreg [dreg:$0x4];
	p0 =	sne.s32 s6, $0x0;
	_ =	strace $0x80000047  }
0x8: {  	s7 =	sadd.s32 $0xE00, s3;
	s8 =	sshll.u32 s6, $0x2  }
0x9: {  	s9 =	sshll.u32 s6, $0x1;
	v0 =	vimm.s32 $0x76543210;
	s7 =	sadd.s32 s7, s8  }
0xa: {  	v1 =	vimm.s32 $0xFEDCBA;
	v0 =	vunpack.c.l.s4.s8 v0;
	[tilespmem:s4], [sflag:$0x1] =	stream.linear.gather [hbm4b:s7+s4], $0x20, $0x38;
	[tilespmem:$0x300] =	vst v63  }
0xb: {  	s20 =	simm.s32 $0x80;
	s5 =	sadd.s32 s5, s9;
	v1 =	vunpack.c.l.s4.s8 v1  }
0xc: {  	v0 =	vunpack.c.0.s8.s32 v0;
	[tilespmem:s20], [sflag:$0x2] =	stream.linear.gather [hbm4b:s5+s4], $0x10, $0x38;
	[tilespmem:$0x300] =	vst v63  }
0xd: {  	s21 =	sadd.s32 $0xC00, s3;
	s23 =	simm.s32 $0x100;
	vm0 =	vcmask $0x1F00;
	vm11 =	vcmask $0x2320;
	v1 =	vunpack.c.0.s8.s32 v1  }
0xe: {  	v2 =	vimm.s32 $0x11101312;
	vm1 =	vcmask $0x1700;
	v0 =	vand.u32 $0xF, v0;
	[tilespmem:s23], [sflag:$0x3] =	stream.linear.gather [hbm4b:s21+s4], $0x80, $0x38;
	[tilespmem:$0x300] =	vst v63  }
0xf: {  	v2 =	vunpack.c.0.s8.s32 v2;
	v1 =	vand.u32 $0xF, v1;
	s4 =	simm.s32 @!p0 $0x0;
	v0 =	vnsel vm0, $0x9, v0  }
0x10: {  	vm12 =	vcmask $0x2718;
	v1 =	vnsel vm1, $0x13, v1;
	[smem:$0x0] =	sst @!p0 s4;
	v0 =	vsel vm11, $0x8, v0  }
0x11: {  	s24 =	simm.s32 $0x3;
	v1 =	vsel vm12, v2, v1;
	[bflag:$0x0] =	sbarrier.arrive $0xFFFF  }
0x12: {  	_ =	swait.ge [sflag:s24], $0x80  }
0x13: {  	[sflag:s24] =	ssyncset.done $0x0  }
0x14: {  	[sflag:s24] =	ssyncadd.s32 $0xFFFFFF80  }
0x15: {  	v44 =	vld.idx.msk [tilespmem:v0+s23+$0x0], $0xffff  }
0x16: {  	v1 =	vld.idx.msk [tilespmem:v1+s23+$0x0], $0xffff  }
0x17: {  	s25 =	simm.s32 $0x1;
	v0 =	vlaneseq.u32  }
0x18: {  	_ =	swait.ge [sflag:s25], $0x20;
	v3 =	vmul.u32 $0x2, v0  }
0x19: {  	[sflag:s25] =	ssyncset.done $0x0  }
0x1a: {  	s26 =	simm.s32 $0x2;
	[sflag:s25] =	ssyncadd.s32 $0xFFFFFFE0;
	v6 =	vor.u32 $0x1, v3  }
0x1b: {  	_ =	swait.ge [sflag:s26], $0x10;
	v4 =	vmul.f32 v44, v44;
	v5 =	vmul.f32 v1, v1  }
0x1c: {  	[sflag:s26] =	ssyncset.done $0x0  }
0x1d: {  	s4 =	simm.s32 $0x0;
	[sflag:s26] =	ssyncadd.s32 $0xFFFFFFF0;
	v4 =	vadd.f32 v5, v4  }
0x1e: {  	v3 =	vld.idx.msk [tilespmem:v3+s4+$0x0], $0xffff  }
0x1f: {  	v6 =	vld.idx.msk [tilespmem:v6+s4+$0x0], $0xffff;
	v4 =	vmax.f32 v4, $1.000000020e-24  }
0x20: {  	v45 =	vshra.s32 v4, $0x1;
	v4 =	vmul.f32 $5.000000000e-01, v4  }
0x21: {  	v5 =	vsub.s32 $0x5F3759DF, v45  }
0x22: {  	v7 =	vmul.f32 v5, v4  }
0x23: {  	v8 =	vmul.f32 v3, v3  }
0x24: {  	v9 =	vmul.f32 v6, v6;
	v7 =	vmul.f32 v5, v7;
	_ =	sdelay $0x1  }
0x25: {  	v8 =	vadd.f32 v9, v8;
	v7 =	vsub.f32 $1.500000000e+00, v7;
	_ =	sdelay $0x1  }
0x26: {  	v46 =	vmax.f32 v8, $1.000000020e-24;
	v5 =	vmul.f32 v5, v7  }
0x27: {  	v8 =	vshra.s32 v46, $0x1;
	v7 =	vmul.f32 $5.000000000e-01, v46  }
0x28: {  	v8 =	vsub.s32 $0x5F3759DF, v8;
	v47 =	vmul.f32 v5, v4  }
0x29: {  	v10 =	vmul.f32 v8, v7  }
0x2a: {  	v9 =	vmul.f32 v47, v5  }
0x2b: {  	v10 =	vmul.f32 v8, v10  }
0x2c: {  	v9 =	vsub.f32 $1.500000000e+00, v9  }
0x2d: {  	v10 =	vsub.f32 $1.500000000e+00, v10  }
0x2e: {  	v5 =	vmul.f32 v9, v5  }
0x2f: {  	v8 =	vmul.f32 v8, v10  }
0x30: {  	v4 =	vmul.f32 v5, v4  }
0x31: {  	v48 =	vmul.f32 v8, v7  }
0x32: {  	v4 =	vmul.f32 v4, v5  }
0x33: {  	v9 =	vmul.f32 v48, v8  }
0x34: {  	v4 =	vsub.f32 $1.500000000e+00, v4  }
0x35: {  	v9 =	vsub.f32 $1.500000000e+00, v9  }
0x36: {  	v4 =	vmul.f32 v4, v5  }
0x37: {  	v49 =	vmul.f32 v9, v8  }
0x38: {  	v4 =	vmul.f32 $1.280000000e+02, v4  }
0x39: {  	v7 =	vmul.f32 v49, v7  }
0x3a: {  	v50 =	vmul.f32 v4, v44;
	v51 =	vmul.f32 v4, v1  }
0x3b: {  	v55 =	vimm.s32 $0x1;
	v2 =	vimm.s32 $0x0;
	v52 =	vmul.f32 v7, v49  }
0x3c: {  	v12 =	vimm.s32 $0x2;
	v53 =	vperm.xlane v50, v2;
	v54 =	vperm.xlane v51, v2  }
0x3d: {  	v14 =	vimm.s32 $0x3;
	v11 =	vperm.xlane v50, v55;
	v9 =	vperm.xlane v51, v55  }
0x3e: {  	v56 =	vimm.s32 $0x4;
	v13 =	vperm.xlane v50, v12;
	v12 =	vperm.xlane v51, v12  }
0x3f: {  	v1 =	vsub.f32 $1.500000000e+00, v52;
	v15 =	vperm.xlane v50, v14;
	v14 =	vperm.xlane v51, v14  }
0x40: {  	v57 =	vimm.s32 $0x5;
	v18 =	vperm.xlane v50, v56;
	v19 =	vperm.xlane v51, v56  }
0x41: {  	v59 =	vimm.s32 $0x6;
	v20 =	vperm.xlane v50, v57;
	v1 =	vmul.f32 v1, v49  }
0x42: {  	v21 =	vperm.xlane v51, v57;
	v62 =	vperm.xlane v50, v59  }
0x43: {  	v28 =	vimm.s32 $0x7;
	v16 =	vmul.f32 v1, v3;
	v17 =	vmul.f32 v1, v6  }
0x44: {  	v32 =	vimm.s32 $0x8;
	v63 =	vperm.xlane v51, v59;
	v22 =	vperm.xlane v50, v28  }
0x45: {  	v36 =	vimm.s32 $0x9;
	v1 =	vld [tilespmem:$0x80];
	v4 =	vmul.f32 v16, v53;
	v58 =	vmul.f32 v17, v54  }
0x46: {  	v23 =	vperm.xlane v50, v32;
	v24 =	vperm.xlane v50, v36  }
0x47: {  	v60 =	vmul.f32 v16, v11;
	v61 =	vmul.f32 v17, v9;
	v3 =	vadd.f32 v58, v4  }
0x48: {  	v43 =	vperm.xlane v51, v36;
	v26 =	vmul.f32 v16, v13  }
0x49: {  	v27 =	vmul.f32 v17, v12;
	v4 =	vadd.f32 v61, v60;
	v25 =	vadd.f32 $0.0e+00, v3  }
0x4a: {  	v30 =	vmul.f32 v16, v15;
	vm13 =	veq.s32 v1, $0x0;
	vm14 =	veq.s32 v1, $0x1  }
0x4b: {  	v5 =	vadd.f32 v27, v26;
	v29 =	vnsel vm14, $0x0, v4;
	v6 =	vnsel vm13, $0x0, v25  }
0x4c: {  	v31 =	vmul.f32 v17, v14;
	vm2 =	veq.s32 v1, $0x2;
	v6 =	vadd.f32 v6, v29  }
0x4d: {  	v12 =	vperm.xlane v51, v28;
	v34 =	vmul.f32 v16, v18;
	v33 =	vnsel vm2, $0x0, v5  }
0x4e: {  	v35 =	vmul.f32 v17, v19;
	v15 =	vadd.f32 v6, v33;
	v6 =	vadd.f32 v31, v30  }
0x4f: {  	v14 =	vperm.xlane v51, v32;
	v39 =	vmul.f32 v16, v20;
	vm3 =	veq.s32 v1, $0x3  }
0x50: {  	v40 =	vmul.f32 v17, v21;
	v7 =	vadd.f32 v35, v34;
	v37 =	vnsel vm3, $0x0, v6  }
0x51: {  	v9 =	vmul.f32 v16, v62;
	vm4 =	veq.s32 v1, $0x4;
	v38 =	vadd.f32 v15, v37  }
0x52: {  	v11 =	vmul.f32 v17, v63;
	v8 =	vadd.f32 v40, v39;
	v41 =	vnsel vm4, $0x0, v7  }
0x53: {  	v42 =	vmul.f32 v16, v22;
	vm5 =	veq.s32 v1, $0x5;
	v19 =	vadd.f32 v38, v41  }
0x54: {  	v9 =	vadd.f32 v11, v9;
	v12 =	vmul.f32 v17, v12;
	v44 =	vnsel vm5, $0x0, v8  }
0x55: {  	v47 =	vmul.f32 v16, v23;
	vm8 =	veq.s32 v1, $0x6;
	v45 =	vadd.f32 v19, v44  }
0x56: {  	v48 =	vmul.f32 v17, v14;
	v46 =	vnsel vm8, $0x0, v9;
	v10 =	vadd.f32 v12, v42  }
0x57: {  	v51 =	vmul.f32 v16, v24;
	vm6 =	veq.s32 v1, $0x7;
	v49 =	vadd.f32 v45, v46  }
0x58: {  	v13 =	vmul.f32 v17, v43;
	v11 =	vadd.f32 v48, v47;
	v50 =	vnsel vm6, $0x0, v10  }
0x59: {  	vm9 =	veq.s32 v1, $0x8;
	v14 =	vadd.f32 v49, v50  }
0x5a: {  	v12 =	vadd.f32 v13, v51;
	v52 =	vnsel vm9, $0x0, v11  }
0x5b: {  	vm7 =	veq.s32 v1, $0x9;
	v53 =	vadd.f32 v14, v52  }
0x5c: {  	v54 =	vnsel vm7, $0x0, v12  }
0x5d: {  	v13 =	vadd.f32 v53, v54;
	_ =	sdelay $0x1  }
0x5e: {  	v14 =	vmul.f32 $7.812500000e-03, v13;
	_ =	sdelay $0x1  }
0x5f: {  	v14 =	vmul.f32 v14, v14;
	_ =	sdelay $0x1  }
0x60: {  	v14 =	vsub.f32 $1.000000000e+00, v14;
	_ =	sdelay $0x1  }
0x61: {  	v55 =	vmax.f32 v14, $1.000000000e-30  }
0x62: {  	v56 =	vshra.s32 v55, $0x1;
	v15 =	vmul.f32 $5.000000000e-01, v55  }
0x63: {  	v16 =	vsub.s32 $0x5F3759DF, v56  }
0x64: {  	v57 =	vmul.f32 v16, v15;
	_ =	sdelay $0x1  }
0x65: {  	v17 =	vmul.f32 v16, v57;
	_ =	sdelay $0x1  }
0x66: {  	v17 =	vsub.f32 $1.500000000e+00, v17;
	_ =	sdelay $0x1  }
0x67: {  	v16 =	vmul.f32 v16, v17;
	_ =	sdelay $0x1  }
0x68: {  	v15 =	vmul.f32 v16, v15;
	_ =	sdelay $0x1  }
0x69: {  	v15 =	vmul.f32 v15, v16;
	_ =	sdelay $0x1  }
0x6a: {  	v58 =	vmax.f32 v3, $-3.000000010e+38;
	v15 =	vsub.f32 $1.500000000e+00, v15  }
0x6b: {  	v17 =	vmax.f32 v58, v4  }
0x6c: {  	v59 =	vmax.f32 v17, v5;
	v15 =	vmul.f32 v15, v16  }
0x6d: {  	v14 =	vmax.f32 v14, $0.0e+00;
	v16 =	vmax.f32 v59, v6  }
0x6e: {  	v60 =	vmax.f32 v16, v7;
	v14 =	vmul.f32 v15, v14  }
0x6f: {  	v15 =	vmax.f32 v60, v8  }
0x70: {  	v13 =	vmul.f32 $9.950041770e-01, v13;
	v15 =	vmax.f32 v15, v9;
	v14 =	vmul.f32 $-1.277867700e+01, v14  }
0x71: {  	v15 =	vmax.f32 v15, v10  }
0x72: {  	v61 =	vmax.f32 v15, v11;
	v13 =	vadd.f32 v14, v13  }
0x73: {  	v14 =	vmax.f32 v61, v12  }
0x74: {  	v14 =	vmax.f32 v14, v13;
	v62 =	vsel vm13, v13, v3  }
0x75: {  	v15 =	vsub.f32 v62, v14  }
0x76: {  	v63 =	vsel vm14, v13, v4  }
0x77: {  	v16 =	vsub.f32 v63, v14;
	v15 =	vmul.f32 $1.442695020e+00, v15  }
0x78: {  	v20 =	vsel vm2, v13, v5  }
0x79: {  	v22 =	vsub.f32 v20, v14;
	v21 =	vmul.f32 $1.442695020e+00, v16;
	(erf) = vpow2.f32 v15;
	_ =	sdelay $0x1  }
0x7a: {  	v24 =	vsel vm3, v13, v6;
	v23 =	vmul.f32 $1.442695020e+00, v22;
	(erf) = vpow2.f32 v21  }
0x7b: {  	v16 =	vsub.f32 v24, v14  }
0x7c: {  	v25 =	vsel vm4, v13, v7;
	(erf) = vpow2.f32 v23  }
0x7d: {  	v16 =	vmul.f32 $1.442695020e+00, v16;
	v15 =	vsub.f32 v25, v14  }
0x7e: {  	v26 =	vsel vm5, v13, v8  }
0x7f: {  	v27 =	vsub.f32 v26, v14;
	v15 =	vmul.f32 $1.442695020e+00, v15;
	(erf) = vpow2.f32 v16  }
0x80: {  	v28 =	vsel vm8, v13, v9;
	v33 =	vsel vm6, v13, v10  }
0x81: {  	v31 =	vsub.f32 v28, v14;
	v30 =	vmul.f32 $1.442695020e+00, v27;
	v29 =	vpop (erf);
	(erf) = vpow2.f32 v15  }
0x82: {  	v37 =	vsel vm9, v13, v11;
	v36 =	vsub.f32 v33, v14  }
0x83: {  	v35 =	vmul.f32 $1.442695020e+00, v31;
	v32 =	vadd.f32 $0.0e+00, v29;
	v34 =	vpop (erf);
	(erf) = vpow2.f32 v30  }
0x84: {  	v41 =	vsel vm7, v13, v12;
	v40 =	vsub.f32 v37, v14  }
0x85: {  	v39 =	vmul.f32 $1.442695020e+00, v36;
	v38 =	vpop (erf);
	(erf) = vpow2.f32 v35;
	v17 =	vadd.f32 v32, v34  }
0x86: {  	v43 =	vsub.f32 v41, v14  }
0x87: {  	v42 =	vmul.f32 $1.442695020e+00, v40;
	(erf) = vpow2.f32 v39;
	v17 =	vadd.f32 v17, v38  }
0x88: {  	v44 =	vpop (erf)  }
0x89: {  	v45 =	vmul.f32 $1.442695020e+00, v43;
	(erf) = vpow2.f32 v42;
	v17 =	vadd.f32 v17, v44  }
0x8a: {  	v46 =	vpop (erf)  }
0x8b: {  	(erf) = vpow2.f32 v45;
	v16 =	vadd.f32 v17, v46  }
0x8c: {  	v47 =	vpop (erf)  }
0x8d: {  	v15 =	vadd.f32 v16, v47  }
0x8e: {  	v48 =	vpop (erf)  }
0x8f: {  	v15 =	vadd.f32 v15, v48  }
0x90: {  	v49 =	vpop (erf)  }
0x91: {  	v15 =	vadd.f32 v15, v49  }
0x92: {  	v50 =	vpop (erf)  }
0x93: {  	v15 =	vadd.f32 v15, v50  }
0x94: {  	v51 =	vpop (erf)  }
0x95: {  	v15 =	vadd.f32 v15, v51;
	_ =	sdelay $0x1  }
0x96: {  	v16 =	vand.u32 $0x7FFFFF, v15  }
0x97: {  	v16 =	vor.u32 $0x3F800000, v16  }
0x98: {  	v52 =	vmul.f32 $5.000000000e-01, v16  }
0x99: {  	vm15 =	vgt.f32 v16, $1.414213540e+00  }
0x9a: {  	v16 =	vsel vm15, v52, v16  }
0x9b: {  	v17 =	vadd.f32 $1.000000000e+00, v16;
	_ =	sdelay $0x1  }
0x9c: {  	(erf) = vrcp.f32 v17;
	_ =	sdelay $0x7  }
0x9d: {  	v16 =	vadd.f32 $-1.000000000e+00, v16  }
0x9e: {  	v17 =	vpop (erf)  }
0x9f: {  	v16 =	vmul.f32 v17, v16;
	_ =	sdelay $0x1  }
0xa0: {  	v17 =	vmul.f32 v16, v16;
	_ =	sdelay $0x1  }
0xa1: {  	v53 =	vmul.f32 $2.857142980e-01, v17;
	_ =	sdelay $0x1  }
0xa2: {  	v18 =	vadd.f32 $4.000000060e-01, v53;
	_ =	sdelay $0x1  }
0xa3: {  	v18 =	vmul.f32 v18, v17;
	_ =	sdelay $0x1  }
0xa4: {  	v18 =	vadd.f32 $6.666666860e-01, v18  }
0xa5: {  	v15 =	vshra.s32 v15, $0x17;
	v2 =	vsel vm15, $0x1, v2  }
0xa6: {  	v2 =	vadd.s32 v2, v15;
	v54 =	vmul.f32 v18, v17  }
0xa7: {  	v2 =	vadd.s32 $0xFFFFFF81, v2  }
0xa8: {  	v2 =	vcvt.s32.f32 v2;
	v15 =	vadd.f32 $2.000000000e+00, v54;
	_ =	sdelay $0x1  }
0xa9: {  	v2 =	vmul.f32 $6.931471820e-01, v2;
	v15 =	vmul.f32 v15, v16;
	_ =	sdelay $0x1  }
0xaa: {  	v2 =	vadd.f32 v15, v2;
	_ =	sdelay $0x1  }
0xab: {  	v2 =	vadd.f32 v2, v14;
	_ =	sdelay $0x1  }
0xac: {  	v2 =	vsub.f32 v2, v13;
	_ =	sdelay $0x1  }
0xad: {  	(xrf2) =	vadd.scan.msk.f32 $0xffff, v2;
	_ =	sdelay $0x9  }
0xae: {  	v2, _, _ =	vpop (xrf2)  }
0xaf: {  	v0 =	vmul.u32 $0xA, v0;
	(v2sf) =	vpush v2, $0xF;
	_ =	sdelay $0x1  }
0xb0: {  	v55 =	vor.u32 $0x1, v0  }
0xb1: {  	v56 =	vadd.s32 $0x2, v0  }
0xb2: {  	v57 =	vadd.s32 $0x3, v0  }
0xb3: {  	s28 =	simm.s32 $0x180;
	v58 =	vadd.s32 $0x4, v0  }
0xb4: {  	[tilespmem:v0+s28+$0x0] =	vst.idx.msk $0xffff, v3;
	v59 =	vadd.s32 $0x5, v0  }
0xb5: {  	[tilespmem:v55+s28+$0x0] =	vst.idx.msk $0xffff, v4;
	v60 =	vadd.s32 $0x6, v0  }
0xb6: {  	[tilespmem:v56+s28+$0x0] =	vst.idx.msk $0xffff, v5;
	v61 =	vadd.s32 $0x7, v0  }
0xb7: {  	[tilespmem:v57+s28+$0x0] =	vst.idx.msk $0xffff, v6;
	v62 =	vadd.s32 $0x8, v0  }
0xb8: {  	[tilespmem:v58+s28+$0x0] =	vst.idx.msk $0xffff, v7;
	v63 =	vadd.s32 $0x9, v0  }
0xb9: {  	[tilespmem:v59+s28+$0x0] =	vst.idx.msk $0xffff, v8;
	v0 =	vadd.s32 v0, v1  }
0xba: {  	[tilespmem:v60+s28+$0x0] =	vst.idx.msk $0xffff, v9  }
0xbb: {  	[tilespmem:v61+s28+$0x0] =	vst.idx.msk $0xffff, v10  }
0xbc: {  	s22 =	smul.u32 $0x14, s6;
	[tilespmem:v62+s28+$0x0] =	vst.idx.msk $0xffff, v11  }
0xbd: {  	[tilespmem:v63+s28+$0x0] =	vst.idx.msk $0xffff, v12;
	s29 =	spop (v2sf)  }
0xbe: {  	s2 =	sadd.s32 s2, s22;
	[tilespmem:v0+s28+$0x0] =	vst.idx.msk $0xffff, v13;
	s6 =	smul.f32 $3.276800000e+04, s29  }
0xbf: {  	[hbm4b:s2+s4] =	stream.linear.scatter [tilespmem:s28], [sflag:$0x1], $0xA0, $0x38;
	[tilespmem:$0x300] =	vst v63  }
0xc0: {  	s31 =	simm.s32 $0x4;
	s30 =	scvt.f32.s32 s6  }
0xc1: {  	[sflag:s31] =	ssyncset.done $0x0  }
0xc2: {  	[smem:s4], [sflag:$0x4] =	smem.add.s32 s30  }
0xc3: {  	_ =	swait.done [sflag:s31]  }
0xc4: {  	[sflag:s31] =	ssyncset.s32 $0x0  }
0xc5: {  	[sflag:s31] =	ssyncset.done $0x0  }
0xc6: {  	_ =	swait.ge [sflag:s25], $0xA0  }
0xc7: {  	[sflag:s25] =	ssyncset.done $0x0  }
0xc8: {  	[sflag:s25] =	ssyncadd.s32 $0xFFFFFF60  }
0xc9: {  	[bflag:$0x0] =	sbarrier.arrive $0xFFFF  }
0xca: {  	_ =	sfence.sel @p0 $0x180000  }
0xcb: {  	[bflag:$0x0] =	sbarrier.arrive @p0 $0xFFFF  }
0xcc: {  	_ =	strace @p0 $0x90000047  }
0xcd: {  	[bflag:$0x2] =	sbarrier.arrive @p0 $0xFFFF  }
0xce: {  	_ =	shalt @p0  }
.LBB2_2:
0xcf: {  	s2 =	sld [smem:$0x0];
	_ =	sdelay $0x2  }
0xd0: {  	s2 =	scvt.s32.f32 s2;
	_ =	sdelay $0x1  }
0xd1: {  	s2 =	smul.f32 $2.384185790e-07, s2;
	_ =	sdelay $0x1  }
0xd2: {  	v0 =	vmov s2  }
.Ltmp1:
0xd3: {  	s30 =	simm.s32 $0x280;
	s31 =	simm.s32 $0x5;
	[tilespmem:$0x280] =	vst v0;
	(pc) =	sbr.rel .LBB2_3-.Ltmp1, $4  }
0xd4: {  	[hbm4b:s1+s4] =	stream.linear.scatter [tilespmem:s30], [sflag:$0x5], $0x8, $0x38;
	[tilespmem:$0x300] =	vst v63  }
0xd5: {  	_ =	swait.ge [sflag:s31], $0x8  }
0xd6: {  	[sflag:s31] =	ssyncset.done $0x0  }
0xd7: {  	[sflag:s31] =	ssyncadd.s32 $0xFFFFFFF8  }
.LBB2_4:
0xd8: {  	[bflag:$0x0] =	sbarrier.arrive $0xFFFF  }
0xd9: {  	[bflag:$0x0] =	sbarrier.arrive $0xFFFF  }
.LBB2_3:
0xda: {  	_ =	sfence.sel $0x180000  }
0xdb: {  	[bflag:$0x0] =	sbarrier.arrive $0xFFFF  }
0xdc: {  	_ =	strace $0x90000047  }
0xdd: {  	s0 =	sadd.s32 @!p0 $0x100000, s0;
	[bflag:$0x2] =	sbarrier.arrive $0xFFFF  }
0xde: {  	[sflag:s0] =	ssyncadd.tile.s32 @!p0 $0x1;
	_ =	shalt  }
.Lfunc_end2:
_tile_overlayer_lowered:
.L_overlay_start_2:
0xdf: {  	(tag) =	ssettag $0x2  }
0xe0: {  	s0 =	rddreg [dreg:$0x0];
	s2 =	stileid.u32  }
0xe1: {  	s1 =	rddreg [dreg:$0x1];
	p0 =	sne.s32 s2, $0x0  }
0xe2: {  	s3 =	rddreg [dreg:$0x2];
	[bflag:$0x3] =	sbarrier.arrive $0xFFFF;
	s2 =	simm.s32 @!p0 $0x1C04  }
0xe3: {  	[timem:s3], [sflag:s2] =	dma.local @!p0 [hbm:s0], s1  }
0xe4: {  	s0 =	simm.s32 @!p0 $0x4  }
0xe5: {  	_ =	swait.ge @!p0 [sflag:s0], s1  }
0xe6: {  	s1 =	ssub.s32 @!p0 $0x0, s1;
	[sflag:s0] =	ssyncset.done @!p0 $0x0  }
0xe7: {  	[sflag:s0] =	ssyncadd.s32 @!p0 s1  }
0xe8: {  	[bflag:$0x3] =	sbarrier.arrive $0xFFFF  }
0xe9: {  	_ =	shalt  }

</sc_bundles>
